<compile_context>
chip_gen: v7x
topology: tpu7x:2x2x1
jax: 0.10.2.dev20260603
libtpu: 0.0.44.dev20260713+nightly
codegen_flags: <defaults>
</compile_context>

<pallas_src>
import functools

import jax
import jax.numpy as jnp
from jax import lax
from jax.experimental import pallas as pl
from jax.experimental.pallas import tpu as pltpu
from jax.experimental.pallas import tpu_sc as plsc

_NC = 2
_NS = 16
_NW = _NC * _NS
_LANES = 16


def _tc_table_to_rowmajor(tab_t, V, D, vchunk=16384):
    grid = (V + vchunk - 1) // vchunk

    def body(i_ref, o_ref):
        t3 = i_ref[...].T.reshape(vchunk // 2, 2, D)
        o_ref[...] = jnp.concatenate([t3[:, 0, :], t3[:, 1, :]], axis=1)

    return pl.pallas_call(
        body,
        grid=(grid,),
        in_specs=[pl.BlockSpec((D, vchunk), lambda i: (0, i))],
        out_specs=pl.BlockSpec((vchunk // 2, 2 * D), lambda i: (i, 0)),
        out_shape=jax.ShapeDtypeStruct((V // 2, 2 * D), jnp.float32),
        compiler_params=pltpu.CompilerParams(
            vmem_limit_bytes=56 * 1024 * 1024),
    )(tab_t)


def _make_sc_kernel(Bsz, Lsz, V, D, seq_per_w, cs, g_sub):
    rc = cs * Lsz
    nsub = Lsz // g_sub
    nch = seq_per_w // cs

    mesh = plsc.VectorSubcoreMesh(core_axis_name="c", subcore_axis_name="s")

    def body(idx_hbm, tab_hbm, pos_hbm, out_hbm,
             idx_v, pos_v, buf_a, buf_b, gsem_a, gsem_b, osem_a, osem_b):
        c = lax.axis_index("c")
        s = lax.axis_index("s")
        wid = s * _NC + c
        seq0 = wid * seq_per_w
        pltpu.sync_copy(idx_hbm.at[pl.ds(seq0, seq_per_w)], idx_v)
        pltpu.sync_copy(pos_hbm, pos_v)

        def fire_gathers(buf, sem, ch):
            hs = []
            for sq in range(cs):
                for k in range(nsub):
                    hs.append(pltpu.async_copy(
                        tab_hbm.at[idx_v.at[ch * cs + sq, pl.ds(k * g_sub, g_sub)]],
                        buf.at[pl.ds(sq * Lsz + k * g_sub, g_sub)],
                        sem,
                    ))
            return hs

        def add_pos(buf):
            for sq in range(cs):
                base = sq * Lsz

                @plsc.parallel_loop(0, Lsz, unroll=8)
                def _(r):
                    for cg in range(D // _LANES):
                        sl = pl.ds(cg * _LANES, _LANES)
                        buf[base + r, sl] = buf[base + r, sl] + pos_v[r, sl]

        def store_out(buf, sem, ch):
            return [
                pltpu.async_copy(
                    buf.at[pl.ds(sq * Lsz, Lsz)],
                    out_hbm.at[seq0 + ch * cs + sq],
                    sem,
                )
                for sq in range(cs)
            ]

        def pair_body(g2, carry):
            ch_a = g2 * 2
            ch_b = ch_a + 1
            hs_a = fire_gathers(buf_a, gsem_a, ch_a)
            hs_b = fire_gathers(buf_b, gsem_b, ch_b)
            for h in hs_a:
                h.wait()
            add_pos(buf_a)
            out_a = store_out(buf_a, osem_a, ch_a)
            for h in hs_b:
                h.wait()
            add_pos(buf_b)
            out_b = store_out(buf_b, osem_b, ch_b)
            for h in out_a + out_b:
                h.wait()
            return carry

        lax.fori_loop(0, nch // 2, pair_body, None)

    return pl.kernel(
        body,
        out_type=jax.ShapeDtypeStruct((Bsz, Lsz, D), jnp.float32),
        mesh=mesh,
        compiler_params=pltpu.CompilerParams(
            use_tc_tiling_on_sc=False, needs_layout_passes=False,
            skip_device_barrier=True),
        scratch_types=[
            pltpu.VMEM((seq_per_w, Lsz), jnp.int32),
            pltpu.VMEM((Lsz, D), jnp.float32),
            pltpu.VMEM((rc, D), jnp.float32),
            pltpu.VMEM((rc, D), jnp.float32),
            pltpu.SemaphoreType.DMA,
            pltpu.SemaphoreType.DMA,
            pltpu.SemaphoreType.DMA,
            pltpu.SemaphoreType.DMA,
        ],
    )


def _tc_out_to_tiled(out_p, Bsz, Lsz, D):
    bt = Bsz // 128
    dh = D // 8
    lc2 = Lsz // 2
    rows = 128 * lc2

    def body(i_ref, o_ref):
        blk = i_ref[...]
        blk = blk.reshape(128, lc2, 2 * D)
        t = jnp.transpose(blk, (1, 2, 0))
        t = t.reshape(lc2, 2, D, 128)
        t = t.reshape(Lsz, D, 128)
        t = t.reshape(Lsz, dh, 8, 128)
        o_ref[...] = t.reshape(Lsz, dh, 1, 8, 128)

    return pl.pallas_call(
        body,
        grid=(bt,),
        in_specs=[pl.BlockSpec((rows, 2 * D), lambda b: (b, 0))],
        out_specs=pl.BlockSpec(
            (Lsz, dh, 1, 8, 128), lambda b: (0, 0, b, 0, 0)),
        out_shape=jax.ShapeDtypeStruct((Lsz, dh, bt, 8, 128), jnp.float32),
        compiler_params=pltpu.CompilerParams(
            vmem_limit_bytes=56 * 1024 * 1024),
    )(out_p)


def kernel(x, word_table, pos_table):
    Bsz, Lsz = x.shape
    V, D = word_table.shape
    seq_per_w = Bsz // _NW
    cs = 2
    g_sub = 40

    pos_rows = pos_table[1 : Lsz + 1]

    tab_p = _tc_table_to_rowmajor(jnp.transpose(word_table), V, D)
    tab_rm = tab_p.reshape(V, D)

    sc = _make_sc_kernel(Bsz, Lsz, V, D, seq_per_w, cs, g_sub)
    out_rm = sc(x, tab_rm, pos_rows)

    out5 = _tc_out_to_tiled(
        out_rm.reshape(Bsz * Lsz // 2, 2 * D), Bsz, Lsz, D)
    return jnp.transpose(out5, (2, 4, 0, 1, 3)).reshape(Bsz, Lsz, D)

# --- scband reference (transcript-rebuilt; emitter-appended) ---
"""Pipeline reference for scband-word-embedding-37589553774695 (READ-ONLY COPY).

The authoritative reference and input builder live on the scoring server;
editing this copy changes nothing except your own understanding.
"""

import jax, jax.numpy as jnp
import numpy as np

NUM_EMBEDDINGS = 1000000
EMBED_DIM = 64
MAX_LENGTH = 256
PADDING_IDX = 0
B, L = 4096, 200


def setup_inputs(seed: int = 0) -> dict:
    key = jax.random.key(seed)
    k1, k2, k3 = jax.random.split(key, 3)
    x = jax.random.randint(k1, (B, L), 0, NUM_EMBEDDINGS, dtype=jnp.int64 if jax.config.jax_enable_x64 else jnp.int32)
    word_table = jax.random.normal(k2, (NUM_EMBEDDINGS, EMBED_DIM), dtype=jnp.float32)
    # nn.Embedding with padding_idx initializes that row to zeros
    word_table = word_table.at[PADDING_IDX].set(0.0)
    pos_table = jax.random.normal(k3, (MAX_LENGTH, EMBED_DIM), dtype=jnp.float32)
    return {"x": x, "word_table": word_table, "pos_table": pos_table}


def reference(x, word_table, pos_table):
    # Original (intended) forward: per-sequence position ids 1..length placed at the
    # end of each row. With full-length sequences this is positions 1..L for every row.
    Bsz, Lsz = x.shape
    pos = jnp.broadcast_to(jnp.arange(1, Lsz + 1, dtype=x.dtype), (Bsz, Lsz))
    p_e = jnp.take(pos_table, pos, axis=0)   # positional embedding lookup
    w_e = jnp.take(word_table, x, axis=0)    # word embedding lookup (gather)
    # dropout p=0.0 is identity; module returns w_e + p_e
    return w_e + p_e

if __name__ == "__main__":
    import jax
    _d = setup_inputs()
    print(jax.jit(kernel)(*tuple(_d.values())))

</pallas_src>

<mosaic_0001>
#map = affine_map<(d0, d1) -> (0, 0)>
#map1 = affine_map<(d0, d1) -> (0, 0, 0)>
module attributes {stable_mosaic.version = 14 : i64} {
  func.func @body(%arg0: i32, %arg1: i32, %arg2: memref<4096x200xi32, #tpu.memory_space<hbm>>, %arg3: memref<1000000x64xf32, #tpu.memory_space<hbm>>, %arg4: memref<200x64xf32, #tpu.memory_space<hbm>>, %arg5: memref<4096x200x64xf32, #tpu.memory_space<hbm>>, %arg6: memref<128x200xi32, #tpu.memory_space<vmem>>, %arg7: memref<200x64xf32, #tpu.memory_space<vmem>>, %arg8: memref<400x64xf32, #tpu.memory_space<vmem>>, %arg9: memref<400x64xf32, #tpu.memory_space<vmem>>, %arg10: memref<!tpu.dma_semaphore, #tpu.memory_space<semaphore_mem>>, %arg11: memref<!tpu.dma_semaphore, #tpu.memory_space<semaphore_mem>>, %arg12: memref<!tpu.dma_semaphore, #tpu.memory_space<semaphore_mem>>, %arg13: memref<!tpu.dma_semaphore, #tpu.memory_space<semaphore_mem>>) attributes {dimension_semantics = [#tpu.dimension_semantics<core_parallel>, #tpu.dimension_semantics<subcore_parallel>], iteration_bounds = array<i64: 2, 16>, scalar_prefetch = 0 : i64, scratch_operands = 8 : i64, tpu.core_type = #tpu.core_type<sc_vector_subcore>, window_params = [{transform_indices = #map}, {transform_indices = #map}, {transform_indices = #map}, {transform_indices = #map1}]} {
    %mul3A = arith.constant 2 : i32
    %mul3A_0 = arith.muli %arg1, %mul3A : i32
    %add3A = arith.addi %mul3A_0, %arg0 : i32
    %mul3A_1 = arith.constant 128 : i32
    %mul3A_2 = arith.muli %add3A, %mul3A_1 : i32
    "tpu.region"() ({
      %run_scoped3A = tpu.sem_alloc : memref<!tpu.dma_semaphore, #tpu.memory_space<semaphore_mem>>
      %dma_start3A = arith.constant 0 : i32
      %dma_start3A_7 = tpu.memref_slice %arg2[%mul3A_2, %dma_start3A] : memref<4096x200xi32, #tpu.memory_space<hbm>> -> memref<128x200xi32, #tpu.memory_space<hbm>>
      %dma_start3A_8 = arith.constant 0 : i32
      %dma_start3A_9 = tpu.memref_slice %arg2[%mul3A_2, %dma_start3A_8] : memref<4096x200xi32, #tpu.memory_space<hbm>> -> memref<128x200xi32, #tpu.memory_space<hbm>>
      tpu.enqueue_dma source(%dma_start3A_9 : memref<128x200xi32, #tpu.memory_space<hbm>>) target(%arg6 : memref<128x200xi32, #tpu.memory_space<vmem>>) target_semaphore(%run_scoped3A : memref<!tpu.dma_semaphore, #tpu.memory_space<semaphore_mem>>)
      %dma_wait3A = arith.constant 0 : i32
      %dma_wait3A_10 = tpu.memref_slice %arg2[%mul3A_2, %dma_wait3A] : memref<4096x200xi32, #tpu.memory_space<hbm>> -> memref<128x200xi32, #tpu.memory_space<hbm>>
      %dma_wait3A_11 = arith.constant 0 : i32
      %dma_wait3A_12 = tpu.memref_slice %arg2[%mul3A_2, %dma_wait3A_11] : memref<4096x200xi32, #tpu.memory_space<hbm>> -> memref<128x200xi32, #tpu.memory_space<hbm>>
      tpu.wait_dma2 semaphore(%run_scoped3A : memref<!tpu.dma_semaphore, #tpu.memory_space<semaphore_mem>>) src(%dma_wait3A_12 : memref<128x200xi32, #tpu.memory_space<hbm>>) dst(%arg6 : memref<128x200xi32, #tpu.memory_space<vmem>>)
      tpu.yield
    }) : () -> ()
    "tpu.region"() ({
      %run_scoped3A = tpu.sem_alloc : memref<!tpu.dma_semaphore, #tpu.memory_space<semaphore_mem>>
      tpu.enqueue_dma source(%arg4 : memref<200x64xf32, #tpu.memory_space<hbm>>) target(%arg7 : memref<200x64xf32, #tpu.memory_space<vmem>>) target_semaphore(%run_scoped3A : memref<!tpu.dma_semaphore, #tpu.memory_space<semaphore_mem>>)
      tpu.wait_dma2 semaphore(%run_scoped3A : memref<!tpu.dma_semaphore, #tpu.memory_space<semaphore_mem>>) src(%arg4 : memref<200x64xf32, #tpu.memory_space<hbm>>) dst(%arg7 : memref<200x64xf32, #tpu.memory_space<vmem>>)
      tpu.yield
    }) : () -> ()
    %scan3A = arith.constant 0 : i32
    %scan3A_3 = arith.constant 32 : i32
    %scan3A_4 = arith.addi %scan3A, %scan3A_3 : i32
    %scan3A_5 = arith.constant 1 : i32
    scf.for %scan3A_7 = %scan3A to %scan3A_4 step %scan3A_5  : i32 {
      %mul3A_8 = arith.constant 2 : i32
      %mul3A_9 = arith.muli %scan3A_7, %mul3A_8 : i32
      %add3A_10 = arith.constant 1 : i32
      %add3A_11 = arith.addi %mul3A_9, %add3A_10 : i32
      %mul3A_12 = arith.constant 2 : i32
      %mul3A_13 = arith.muli %mul3A_9, %mul3A_12 : i32
      %add3A_14 = arith.constant 0 : i32
      %add3A_15 = arith.addi %mul3A_13, %add3A_14 : i32
      %dma_start3A = arith.constant 0 : i32
      %dma_start3A_16 = arith.constant 0 : i32
      %dma_start3A_17 = tpu.memref_slice %arg8[%dma_start3A, %dma_start3A_16] : memref<400x64xf32, #tpu.memory_space<vmem>> -> memref<40x64xf32, #tpu.memory_space<vmem>>
      %dma_start3A_18 = arith.constant 0 : i32
      %dma_start3A_19 = tpu.memref_slice %arg6[%add3A_15, %dma_start3A_18] : memref<128x200xi32, #tpu.memory_space<vmem>> -> memref<1x40xi32, #tpu.memory_space<vmem>>
      %dma_start3A_20 = tpu.memref_squeeze %dma_start3A_19 : memref<1x40xi32, #tpu.memory_space<vmem>> -> memref<40xi32, #tpu.memory_space<vmem>>
      %dma_start3A_21 = arith.constant 0 : i32
      %dma_start3A_22 = arith.constant 0 : i32
      %dma_start3A_23 = tpu.memref_slice %arg3[%dma_start3A_21, %dma_start3A_22] : memref<1000000x64xf32, #tpu.memory_space<hbm>> -> memref<1000000x64xf32, #tpu.memory_space<hbm>>
      tpu.enqueue_indirect_dma source(%dma_start3A_23 : memref<1000000x64xf32, #tpu.memory_space<hbm>>) target(%dma_start3A_17 : memref<40x64xf32, #tpu.memory_space<vmem>>) offsets(%dma_start3A_20 : memref<40xi32, #tpu.memory_space<vmem>>) semaphore(%arg10 : memref<!tpu.dma_semaphore, #tpu.memory_space<semaphore_mem>>)
      %mul3A_24 = arith.constant 2 : i32
      %mul3A_25 = arith.muli %mul3A_9, %mul3A_24 : i32
      %add3A_26 = arith.constant 0 : i32
      %add3A_27 = arith.addi %mul3A_25, %add3A_26 : i32
      %dma_start3A_28 = arith.constant 40 : i32
      %dma_start3A_29 = arith.constant 0 : i32
      %dma_start3A_30 = tpu.memref_slice %arg8[%dma_start3A_28, %dma_start3A_29] : memref<400x64xf32, #tpu.memory_space<vmem>> -> memref<40x64xf32, #tpu.memory_space<vmem>>
      %dma_start3A_31 = arith.constant 40 : i32
      %dma_start3A_32 = tpu.memref_slice %arg6[%add3A_27, %dma_start3A_31] : memref<128x200xi32, #tpu.memory_space<vmem>> -> memref<1x40xi32, #tpu.memory_space<vmem>>
      %dma_start3A_33 = tpu.memref_squeeze %dma_start3A_32 : memref<1x40xi32, #tpu.memory_space<vmem>> -> memref<40xi32, #tpu.memory_space<vmem>>
      %dma_start3A_34 = arith.constant 0 : i32
      %dma_start3A_35 = arith.constant 0 : i32
      %dma_start3A_36 = tpu.memref_slice %arg3[%dma_start3A_34, %dma_start3A_35] : memref<1000000x64xf32, #tpu.memory_space<hbm>> -> memref<1000000x64xf32, #tpu.memory_space<hbm>>
      tpu.enqueue_indirect_dma source(%dma_start3A_36 : memref<1000000x64xf32, #tpu.memory_space<hbm>>) target(%dma_start3A_30 : memref<40x64xf32, #tpu.memory_space<vmem>>) offsets(%dma_start3A_33 : memref<40xi32, #tpu.memory_space<vmem>>) semaphore(%arg10 : memref<!tpu.dma_semaphore, #tpu.memory_space<semaphore_mem>>)
      %mul3A_37 = arith.constant 2 : i32
      %mul3A_38 = arith.muli %mul3A_9, %mul3A_37 : i32
      %add3A_39 = arith.constant 0 : i32
      %add3A_40 = arith.addi %mul3A_38, %add3A_39 : i32
      %dma_start3A_41 = arith.constant 80 : i32
      %dma_start3A_42 = arith.constant 0 : i32
      %dma_start3A_43 = tpu.memref_slice %arg8[%dma_start3A_41, %dma_start3A_42] : memref<400x64xf32, #tpu.memory_space<vmem>> -> memref<40x64xf32, #tpu.memory_space<vmem>>
      %dma_start3A_44 = arith.constant 80 : i32
      %dma_start3A_45 = tpu.memref_slice %arg6[%add3A_40, %dma_start3A_44] : memref<128x200xi32, #tpu.memory_space<vmem>> -> memref<1x40xi32, #tpu.memory_space<vmem>>
      %dma_start3A_46 = tpu.memref_squeeze %dma_start3A_45 : memref<1x40xi32, #tpu.memory_space<vmem>> -> memref<40xi32, #tpu.memory_space<vmem>>
      %dma_start3A_47 = arith.constant 0 : i32
      %dma_start3A_48 = arith.constant 0 : i32
      %dma_start3A_49 = tpu.memref_slice %arg3[%dma_start3A_47, %dma_start3A_48] : memref<1000000x64xf32, #tpu.memory_space<hbm>> -> memref<1000000x64xf32, #tpu.memory_space<hbm>>
      tpu.enqueue_indirect_dma source(%dma_start3A_49 : memref<1000000x64xf32, #tpu.memory_space<hbm>>) target(%dma_start3A_43 : memref<40x64xf32, #tpu.memory_space<vmem>>) offsets(%dma_start3A_46 : memref<40xi32, #tpu.memory_space<vmem>>) semaphore(%arg10 : memref<!tpu.dma_semaphore, #tpu.memory_space<semaphore_mem>>)
      %mul3A_50 = arith.constant 2 : i32
      %mul3A_51 = arith.muli %mul3A_9, %mul3A_50 : i32
      %add3A_52 = arith.constant 0 : i32
      %add3A_53 = arith.addi %mul3A_51, %add3A_52 : i32
      %dma_start3A_54 = arith.constant 120 : i32
      %dma_start3A_55 = arith.constant 0 : i32
      %dma_start3A_56 = tpu.memref_slice %arg8[%dma_start3A_54, %dma_start3A_55] : memref<400x64xf32, #tpu.memory_space<vmem>> -> memref<40x64xf32, #tpu.memory_space<vmem>>
      %dma_start3A_57 = arith.constant 120 : i32
      %dma_start3A_58 = tpu.memref_slice %arg6[%add3A_53, %dma_start3A_57] : memref<128x200xi32, #tpu.memory_space<vmem>> -> memref<1x40xi32, #tpu.memory_space<vmem>>
      %dma_start3A_59 = tpu.memref_squeeze %dma_start3A_58 : memref<1x40xi32, #tpu.memory_space<vmem>> -> memref<40xi32, #tpu.memory_space<vmem>>
      %dma_start3A_60 = arith.constant 0 : i32
      %dma_start3A_61 = arith.constant 0 : i32
      %dma_start3A_62 = tpu.memref_slice %arg3[%dma_start3A_60, %dma_start3A_61] : memref<1000000x64xf32, #tpu.memory_space<hbm>> -> memref<1000000x64xf32, #tpu.memory_space<hbm>>
      tpu.enqueue_indirect_dma source(%dma_start3A_62 : memref<1000000x64xf32, #tpu.memory_space<hbm>>) target(%dma_start3A_56 : memref<40x64xf32, #tpu.memory_space<vmem>>) offsets(%dma_start3A_59 : memref<40xi32, #tpu.memory_space<vmem>>) semaphore(%arg10 : memref<!tpu.dma_semaphore, #tpu.memory_space<semaphore_mem>>)
      %mul3A_63 = arith.constant 2 : i32
      %mul3A_64 = arith.muli %mul3A_9, %mul3A_63 : i32
      %add3A_65 = arith.constant 0 : i32
      %add3A_66 = arith.addi %mul3A_64, %add3A_65 : i32
      %dma_start3A_67 = arith.constant 160 : i32
      %dma_start3A_68 = arith.constant 0 : i32
      %dma_start3A_69 = tpu.memref_slice %arg8[%dma_start3A_67, %dma_start3A_68] : memref<400x64xf32, #tpu.memory_space<vmem>> -> memref<40x64xf32, #tpu.memory_space<vmem>>
      %dma_start3A_70 = arith.constant 160 : i32
      %dma_start3A_71 = tpu.memref_slice %arg6[%add3A_66, %dma_start3A_70] : memref<128x200xi32, #tpu.memory_space<vmem>> -> memref<1x40xi32, #tpu.memory_space<vmem>>
      %dma_start3A_72 = tpu.memref_squeeze %dma_start3A_71 : memref<1x40xi32, #tpu.memory_space<vmem>> -> memref<40xi32, #tpu.memory_space<vmem>>
      %dma_start3A_73 = arith.constant 0 : i32
      %dma_start3A_74 = arith.constant 0 : i32
      %dma_start3A_75 = tpu.memref_slice %arg3[%dma_start3A_73, %dma_start3A_74] : memref<1000000x64xf32, #tpu.memory_space<hbm>> -> memref<1000000x64xf32, #tpu.memory_space<hbm>>
      tpu.enqueue_indirect_dma source(%dma_start3A_75 : memref<1000000x64xf32, #tpu.memory_space<hbm>>) target(%dma_start3A_69 : memref<40x64xf32, #tpu.memory_space<vmem>>) offsets(%dma_start3A_72 : memref<40xi32, #tpu.memory_space<vmem>>) semaphore(%arg10 : memref<!tpu.dma_semaphore, #tpu.memory_space<semaphore_mem>>)
      %mul3A_76 = arith.constant 2 : i32
      %mul3A_77 = arith.muli %mul3A_9, %mul3A_76 : i32
      %add3A_78 = arith.constant 1 : i32
      %add3A_79 = arith.addi %mul3A_77, %add3A_78 : i32
      %dma_start3A_80 = arith.constant 200 : i32
      %dma_start3A_81 = arith.constant 0 : i32
      %dma_start3A_82 = tpu.memref_slice %arg8[%dma_start3A_80, %dma_start3A_81] : memref<400x64xf32, #tpu.memory_space<vmem>> -> memref<40x64xf32, #tpu.memory_space<vmem>>
      %dma_start3A_83 = arith.constant 0 : i32
      %dma_start3A_84 = tpu.memref_slice %arg6[%add3A_79, %dma_start3A_83] : memref<128x200xi32, #tpu.memory_space<vmem>> -> memref<1x40xi32, #tpu.memory_space<vmem>>
      %dma_start3A_85 = tpu.memref_squeeze %dma_start3A_84 : memref<1x40xi32, #tpu.memory_space<vmem>> -> memref<40xi32, #tpu.memory_space<vmem>>
      %dma_start3A_86 = arith.constant 0 : i32
      %dma_start3A_87 = arith.constant 0 : i32
      %dma_start3A_88 = tpu.memref_slice %arg3[%dma_start3A_86, %dma_start3A_87] : memref<1000000x64xf32, #tpu.memory_space<hbm>> -> memref<1000000x64xf32, #tpu.memory_space<hbm>>
      tpu.enqueue_indirect_dma source(%dma_start3A_88 : memref<1000000x64xf32, #tpu.memory_space<hbm>>) target(%dma_start3A_82 : memref<40x64xf32, #tpu.memory_space<vmem>>) offsets(%dma_start3A_85 : memref<40xi32, #tpu.memory_space<vmem>>) semaphore(%arg10 : memref<!tpu.dma_semaphore, #tpu.memory_space<semaphore_mem>>)
      %mul3A_89 = arith.constant 2 : i32
      %mul3A_90 = arith.muli %mul3A_9, %mul3A_89 : i32
      %add3A_91 = arith.constant 1 : i32
      %add3A_92 = arith.addi %mul3A_90, %add3A_91 : i32
      %dma_start3A_93 = arith.constant 240 : i32
      %dma_start3A_94 = arith.constant 0 : i32
      %dma_start3A_95 = tpu.memref_slice %arg8[%dma_start3A_93, %dma_start3A_94] : memref<400x64xf32, #tpu.memory_space<vmem>> -> memref<40x64xf32, #tpu.memory_space<vmem>>
      %dma_start3A_96 = arith.constant 40 : i32
      %dma_start3A_97 = tpu.memref_slice %arg6[%add3A_92, %dma_start3A_96] : memref<128x200xi32, #tpu.memory_space<vmem>> -> memref<1x40xi32, #tpu.memory_space<vmem>>
      %dma_start3A_98 = tpu.memref_squeeze %dma_start3A_97 : memref<1x40xi32, #tpu.memory_space<vmem>> -> memref<40xi32, #tpu.memory_space<vmem>>
      %dma_start3A_99 = arith.constant 0 : i32
      %dma_start3A_100 = arith.constant 0 : i32
      %dma_start3A_101 = tpu.memref_slice %arg3[%dma_start3A_99, %dma_start3A_100] : memref<1000000x64xf32, #tpu.memory_space<hbm>> -> memref<1000000x64xf32, #tpu.memory_space<hbm>>
      tpu.enqueue_indirect_dma source(%dma_start3A_101 : memref<1000000x64xf32, #tpu.memory_space<hbm>>) target(%dma_start3A_95 : memref<40x64xf32, #tpu.memory_space<vmem>>) offsets(%dma_start3A_98 : memref<40xi32, #tpu.memory_space<vmem>>) semaphore(%arg10 : memref<!tpu.dma_semaphore, #tpu.memory_space<semaphore_mem>>)
      %mul3A_102 = arith.constant 2 : i32
      %mul3A_103 = arith.muli %mul3A_9, %mul3A_102 : i32
      %add3A_104 = arith.constant 1 : i32
      %add3A_105 = arith.addi %mul3A_103, %add3A_104 : i32
      %dma_start3A_106 = arith.constant 280 : i32
      %dma_start3A_107 = arith.constant 0 : i32
      %dma_start3A_108 = tpu.memref_slice %arg8[%dma_start3A_106, %dma_start3A_107] : memref<400x64xf32, #tpu.memory_space<vmem>> -> memref<40x64xf32, #tpu.memory_space<vmem>>
      %dma_start3A_109 = arith.constant 80 : i32
      %dma_start3A_110 = tpu.memref_slice %arg6[%add3A_105, %dma_start3A_109] : memref<128x200xi32, #tpu.memory_space<vmem>> -> memref<1x40xi32, #tpu.memory_space<vmem>>
      %dma_start3A_111 = tpu.memref_squeeze %dma_start3A_110 : memref<1x40xi32, #tpu.memory_space<vmem>> -> memref<40xi32, #tpu.memory_space<vmem>>
      %dma_start3A_112 = arith.constant 0 : i32
      %dma_start3A_113 = arith.constant 0 : i32
      %dma_start3A_114 = tpu.memref_slice %arg3[%dma_start3A_112, %dma_start3A_113] : memref<1000000x64xf32, #tpu.memory_space<hbm>> -> memref<1000000x64xf32, #tpu.memory_space<hbm>>
      tpu.enqueue_indirect_dma source(%dma_start3A_114 : memref<1000000x64xf32, #tpu.memory_space<hbm>>) target(%dma_start3A_108 : memref<40x64xf32, #tpu.memory_space<vmem>>) offsets(%dma_start3A_111 : memref<40xi32, #tpu.memory_space<vmem>>) semaphore(%arg10 : memref<!tpu.dma_semaphore, #tpu.memory_space<semaphore_mem>>)
      %mul3A_115 = arith.constant 2 : i32
      %mul3A_116 = arith.muli %mul3A_9, %mul3A_115 : i32
      %add3A_117 = arith.constant 1 : i32
      %add3A_118 = arith.addi %mul3A_116, %add3A_117 : i32
      %dma_start3A_119 = arith.constant 320 : i32
      %dma_start3A_120 = arith.constant 0 : i32
      %dma_start3A_121 = tpu.memref_slice %arg8[%dma_start3A_119, %dma_start3A_120] : memref<400x64xf32, #tpu.memory_space<vmem>> -> memref<40x64xf32, #tpu.memory_space<vmem>>
      %dma_start3A_122 = arith.constant 120 : i32
      %dma_start3A_123 = tpu.memref_slice %arg6[%add3A_118, %dma_start3A_122] : memref<128x200xi32, #tpu.memory_space<vmem>> -> memref<1x40xi32, #tpu.memory_space<vmem>>
      %dma_start3A_124 = tpu.memref_squeeze %dma_start3A_123 : memref<1x40xi32, #tpu.memory_space<vmem>> -> memref<40xi32, #tpu.memory_space<vmem>>
      %dma_start3A_125 = arith.constant 0 : i32
      %dma_start3A_126 = arith.constant 0 : i32
      %dma_start3A_127 = tpu.memref_slice %arg3[%dma_start3A_125, %dma_start3A_126] : memref<1000000x64xf32, #tpu.memory_space<hbm>> -> memref<1000000x64xf32, #tpu.memory_space<hbm>>
      tpu.enqueue_indirect_dma source(%dma_start3A_127 : memref<1000000x64xf32, #tpu.memory_space<hbm>>) target(%dma_start3A_121 : memref<40x64xf32, #tpu.memory_space<vmem>>) offsets(%dma_start3A_124 : memref<40xi32, #tpu.memory_space<vmem>>) semaphore(%arg10 : memref<!tpu.dma_semaphore, #tpu.memory_space<semaphore_mem>>)
      %mul3A_128 = arith.constant 2 : i32
      %mul3A_129 = arith.muli %mul3A_9, %mul3A_128 : i32
      %add3A_130 = arith.constant 1 : i32
      %add3A_131 = arith.addi %mul3A_129, %add3A_130 : i32
      %dma_start3A_132 = arith.constant 360 : i32
      %dma_start3A_133 = arith.constant 0 : i32
      %dma_start3A_134 = tpu.memref_slice %arg8[%dma_start3A_132, %dma_start3A_133] : memref<400x64xf32, #tpu.memory_space<vmem>> -> memref<40x64xf32, #tpu.memory_space<vmem>>
      %dma_start3A_135 = arith.constant 160 : i32
      %dma_start3A_136 = tpu.memref_slice %arg6[%add3A_131, %dma_start3A_135] : memref<128x200xi32, #tpu.memory_space<vmem>> -> memref<1x40xi32, #tpu.memory_space<vmem>>
      %dma_start3A_137 = tpu.memref_squeeze %dma_start3A_136 : memref<1x40xi32, #tpu.memory_space<vmem>> -> memref<40xi32, #tpu.memory_space<vmem>>
      %dma_start3A_138 = arith.constant 0 : i32
      %dma_start3A_139 = arith.constant 0 : i32
      %dma_start3A_140 = tpu.memref_slice %arg3[%dma_start3A_138, %dma_start3A_139] : memref<1000000x64xf32, #tpu.memory_space<hbm>> -> memref<1000000x64xf32, #tpu.memory_space<hbm>>
      tpu.enqueue_indirect_dma source(%dma_start3A_140 : memref<1000000x64xf32, #tpu.memory_space<hbm>>) target(%dma_start3A_134 : memref<40x64xf32, #tpu.memory_space<vmem>>) offsets(%dma_start3A_137 : memref<40xi32, #tpu.memory_space<vmem>>) semaphore(%arg10 : memref<!tpu.dma_semaphore, #tpu.memory_space<semaphore_mem>>)
      %mul3A_141 = arith.constant 2 : i32
      %mul3A_142 = arith.muli %add3A_11, %mul3A_141 : i32
      %add3A_143 = arith.constant 0 : i32
      %add3A_144 = arith.addi %mul3A_142, %add3A_143 : i32
      %dma_start3A_145 = arith.constant 0 : i32
      %dma_start3A_146 = arith.constant 0 : i32
      %dma_start3A_147 = tpu.memref_slice %arg9[%dma_start3A_145, %dma_start3A_146] : memref<400x64xf32, #tpu.memory_space<vmem>> -> memref<40x64xf32, #tpu.memory_space<vmem>>
      %dma_start3A_148 = arith.constant 0 : i32
      %dma_start3A_149 = tpu.memref_slice %arg6[%add3A_144, %dma_start3A_148] : memref<128x200xi32, #tpu.memory_space<vmem>> -> memref<1x40xi32, #tpu.memory_space<vmem>>
      %dma_start3A_150 = tpu.memref_squeeze %dma_start3A_149 : memref<1x40xi32, #tpu.memory_space<vmem>> -> memref<40xi32, #tpu.memory_space<vmem>>
      %dma_start3A_151 = arith.constant 0 : i32
      %dma_start3A_152 = arith.constant 0 : i32
      %dma_start3A_153 = tpu.memref_slice %arg3[%dma_start3A_151, %dma_start3A_152] : memref<1000000x64xf32, #tpu.memory_space<hbm>> -> memref<1000000x64xf32, #tpu.memory_space<hbm>>
      tpu.enqueue_indirect_dma source(%dma_start3A_153 : memref<1000000x64xf32, #tpu.memory_space<hbm>>) target(%dma_start3A_147 : memref<40x64xf32, #tpu.memory_space<vmem>>) offsets(%dma_start3A_150 : memref<40xi32, #tpu.memory_space<vmem>>) semaphore(%arg11 : memref<!tpu.dma_semaphore, #tpu.memory_space<semaphore_mem>>)
      %mul3A_154 = arith.constant 2 : i32
      %mul3A_155 = arith.muli %add3A_11, %mul3A_154 : i32
      %add3A_156 = arith.constant 0 : i32
      %add3A_157 = arith.addi %mul3A_155, %add3A_156 : i32
      %dma_start3A_158 = arith.constant 40 : i32
      %dma_start3A_159 = arith.constant 0 : i32
      %dma_start3A_160 = tpu.memref_slice %arg9[%dma_start3A_158, %dma_start3A_159] : memref<400x64xf32, #tpu.memory_space<vmem>> -> memref<40x64xf32, #tpu.memory_space<vmem>>
      %dma_start3A_161 = arith.constant 40 : i32
      %dma_start3A_162 = tpu.memref_slice %arg6[%add3A_157, %dma_start3A_161] : memref<128x200xi32, #tpu.memory_space<vmem>> -> memref<1x40xi32, #tpu.memory_space<vmem>>
      %dma_start3A_163 = tpu.memref_squeeze %dma_start3A_162 : memref<1x40xi32, #tpu.memory_space<vmem>> -> memref<40xi32, #tpu.memory_space<vmem>>
      %dma_start3A_164 = arith.constant 0 : i32
      %dma_start3A_165 = arith.constant 0 : i32
      %dma_start3A_166 = tpu.memref_slice %arg3[%dma_start3A_164, %dma_start3A_165] : memref<1000000x64xf32, #tpu.memory_space<hbm>> -> memref<1000000x64xf32, #tpu.memory_space<hbm>>
      tpu.enqueue_indirect_dma source(%dma_start3A_166 : memref<1000000x64xf32, #tpu.memory_space<hbm>>) target(%dma_start3A_160 : memref<40x64xf32, #tpu.memory_space<vmem>>) offsets(%dma_start3A_163 : memref<40xi32, #tpu.memory_space<vmem>>) semaphore(%arg11 : memref<!tpu.dma_semaphore, #tpu.memory_space<semaphore_mem>>)
      %mul3A_167 = arith.constant 2 : i32
      %mul3A_168 = arith.muli %add3A_11, %mul3A_167 : i32
      %add3A_169 = arith.constant 0 : i32
      %add3A_170 = arith.addi %mul3A_168, %add3A_169 : i32
      %dma_start3A_171 = arith.constant 80 : i32
      %dma_start3A_172 = arith.constant 0 : i32
      %dma_start3A_173 = tpu.memref_slice %arg9[%dma_start3A_171, %dma_start3A_172] : memref<400x64xf32, #tpu.memory_space<vmem>> -> memref<40x64xf32, #tpu.memory_space<vmem>>
      %dma_start3A_174 = arith.constant 80 : i32
      %dma_start3A_175 = tpu.memref_slice %arg6[%add3A_170, %dma_start3A_174] : memref<128x200xi32, #tpu.memory_space<vmem>> -> memref<1x40xi32, #tpu.memory_space<vmem>>
      %dma_start3A_176 = tpu.memref_squeeze %dma_start3A_175 : memref<1x40xi32, #tpu.memory_space<vmem>> -> memref<40xi32, #tpu.memory_space<vmem>>
      %dma_start3A_177 = arith.constant 0 : i32
      %dma_start3A_178 = arith.constant 0 : i32
      %dma_start3A_179 = tpu.memref_slice %arg3[%dma_start3A_177, %dma_start3A_178] : memref<1000000x64xf32, #tpu.memory_space<hbm>> -> memref<1000000x64xf32, #tpu.memory_space<hbm>>
      tpu.enqueue_indirect_dma source(%dma_start3A_179 : memref<1000000x64xf32, #tpu.memory_space<hbm>>) target(%dma_start3A_173 : memref<40x64xf32, #tpu.memory_space<vmem>>) offsets(%dma_start3A_176 : memref<40xi32, #tpu.memory_space<vmem>>) semaphore(%arg11 : memref<!tpu.dma_semaphore, #tpu.memory_space<semaphore_mem>>)
      %mul3A_180 = arith.constant 2 : i32
      %mul3A_181 = arith.muli %add3A_11, %mul3A_180 : i32
      %add3A_182 = arith.constant 0 : i32
      %add3A_183 = arith.addi %mul3A_181, %add3A_182 : i32
      %dma_start3A_184 = arith.constant 120 : i32
      %dma_start3A_185 = arith.constant 0 : i32
      %dma_start3A_186 = tpu.memref_slice %arg9[%dma_start3A_184, %dma_start3A_185] : memref<400x64xf32, #tpu.memory_space<vmem>> -> memref<40x64xf32, #tpu.memory_space<vmem>>
      %dma_start3A_187 = arith.constant 120 : i32
      %dma_start3A_188 = tpu.memref_slice %arg6[%add3A_183, %dma_start3A_187] : memref<128x200xi32, #tpu.memory_space<vmem>> -> memref<1x40xi32, #tpu.memory_space<vmem>>
      %dma_start3A_189 = tpu.memref_squeeze %dma_start3A_188 : memref<1x40xi32, #tpu.memory_space<vmem>> -> memref<40xi32, #tpu.memory_space<vmem>>
      %dma_start3A_190 = arith.constant 0 : i32
      %dma_start3A_191 = arith.constant 0 : i32
      %dma_start3A_192 = tpu.memref_slice %arg3[%dma_start3A_190, %dma_start3A_191] : memref<1000000x64xf32, #tpu.memory_space<hbm>> -> memref<1000000x64xf32, #tpu.memory_space<hbm>>
      tpu.enqueue_indirect_dma source(%dma_start3A_192 : memref<1000000x64xf32, #tpu.memory_space<hbm>>) target(%dma_start3A_186 : memref<40x64xf32, #tpu.memory_space<vmem>>) offsets(%dma_start3A_189 : memref<40xi32, #tpu.memory_space<vmem>>) semaphore(%arg11 : memref<!tpu.dma_semaphore, #tpu.memory_space<semaphore_mem>>)
      %mul3A_193 = arith.constant 2 : i32
      %mul3A_194 = arith.muli %add3A_11, %mul3A_193 : i32
      %add3A_195 = arith.constant 0 : i32
      %add3A_196 = arith.addi %mul3A_194, %add3A_195 : i32
      %dma_start3A_197 = arith.constant 160 : i32
      %dma_start3A_198 = arith.constant 0 : i32
      %dma_start3A_199 = tpu.memref_slice %arg9[%dma_start3A_197, %dma_start3A_198] : memref<400x64xf32, #tpu.memory_space<vmem>> -> memref<40x64xf32, #tpu.memory_space<vmem>>
      %dma_start3A_200 = arith.constant 160 : i32
      %dma_start3A_201 = tpu.memref_slice %arg6[%add3A_196, %dma_start3A_200] : memref<128x200xi32, #tpu.memory_space<vmem>> -> memref<1x40xi32, #tpu.memory_space<vmem>>
      %dma_start3A_202 = tpu.memref_squeeze %dma_start3A_201 : memref<1x40xi32, #tpu.memory_space<vmem>> -> memref<40xi32, #tpu.memory_space<vmem>>
      %dma_start3A_203 = arith.constant 0 : i32
      %dma_start3A_204 = arith.constant 0 : i32
      %dma_start3A_205 = tpu.memref_slice %arg3[%dma_start3A_203, %dma_start3A_204] : memref<1000000x64xf32, #tpu.memory_space<hbm>> -> memref<1000000x64xf32, #tpu.memory_space<hbm>>
      tpu.enqueue_indirect_dma source(%dma_start3A_205 : memref<1000000x64xf32, #tpu.memory_space<hbm>>) target(%dma_start3A_199 : memref<40x64xf32, #tpu.memory_space<vmem>>) offsets(%dma_start3A_202 : memref<40xi32, #tpu.memory_space<vmem>>) semaphore(%arg11 : memref<!tpu.dma_semaphore, #tpu.memory_space<semaphore_mem>>)
      %mul3A_206 = arith.constant 2 : i32
      %mul3A_207 = arith.muli %add3A_11, %mul3A_206 : i32
      %add3A_208 = arith.constant 1 : i32
      %add3A_209 = arith.addi %mul3A_207, %add3A_208 : i32
      %dma_start3A_210 = arith.constant 200 : i32
      %dma_start3A_211 = arith.constant 0 : i32
      %dma_start3A_212 = tpu.memref_slice %arg9[%dma_start3A_210, %dma_start3A_211] : memref<400x64xf32, #tpu.memory_space<vmem>> -> memref<40x64xf32, #tpu.memory_space<vmem>>
      %dma_start3A_213 = arith.constant 0 : i32
      %dma_start3A_214 = tpu.memref_slice %arg6[%add3A_209, %dma_start3A_213] : memref<128x200xi32, #tpu.memory_space<vmem>> -> memref<1x40xi32, #tpu.memory_space<vmem>>
      %dma_start3A_215 = tpu.memref_squeeze %dma_start3A_214 : memref<1x40xi32, #tpu.memory_space<vmem>> -> memref<40xi32, #tpu.memory_space<vmem>>
      %dma_start3A_216 = arith.constant 0 : i32
      %dma_start3A_217 = arith.constant 0 : i32
      %dma_start3A_218 = tpu.memref_slice %arg3[%dma_start3A_216, %dma_start3A_217] : memref<1000000x64xf32, #tpu.memory_space<hbm>> -> memref<1000000x64xf32, #tpu.memory_space<hbm>>
      tpu.enqueue_indirect_dma source(%dma_start3A_218 : memref<1000000x64xf32, #tpu.memory_space<hbm>>) target(%dma_start3A_212 : memref<40x64xf32, #tpu.memory_space<vmem>>) offsets(%dma_start3A_215 : memref<40xi32, #tpu.memory_space<vmem>>) semaphore(%arg11 : memref<!tpu.dma_semaphore, #tpu.memory_space<semaphore_mem>>)
      %mul3A_219 = arith.constant 2 : i32
      %mul3A_220 = arith.muli %add3A_11, %mul3A_219 : i32
      %add3A_221 = arith.constant 1 : i32
      %add3A_222 = arith.addi %mul3A_220, %add3A_221 : i32
      %dma_start3A_223 = arith.constant 240 : i32
      %dma_start3A_224 = arith.constant 0 : i32
      %dma_start3A_225 = tpu.memref_slice %arg9[%dma_start3A_223, %dma_start3A_224] : memref<400x64xf32, #tpu.memory_space<vmem>> -> memref<40x64xf32, #tpu.memory_space<vmem>>
      %dma_start3A_226 = arith.constant 40 : i32
      %dma_start3A_227 = tpu.memref_slice %arg6[%add3A_222, %dma_start3A_226] : memref<128x200xi32, #tpu.memory_space<vmem>> -> memref<1x40xi32, #tpu.memory_space<vmem>>
      %dma_start3A_228 = tpu.memref_squeeze %dma_start3A_227 : memref<1x40xi32, #tpu.memory_space<vmem>> -> memref<40xi32, #tpu.memory_space<vmem>>
      %dma_start3A_229 = arith.constant 0 : i32
      %dma_start3A_230 = arith.constant 0 : i32
      %dma_start3A_231 = tpu.memref_slice %arg3[%dma_start3A_229, %dma_start3A_230] : memref<1000000x64xf32, #tpu.memory_space<hbm>> -> memref<1000000x64xf32, #tpu.memory_space<hbm>>
      tpu.enqueue_indirect_dma source(%dma_start3A_231 : memref<1000000x64xf32, #tpu.memory_space<hbm>>) target(%dma_start3A_225 : memref<40x64xf32, #tpu.memory_space<vmem>>) offsets(%dma_start3A_228 : memref<40xi32, #tpu.memory_space<vmem>>) semaphore(%arg11 : memref<!tpu.dma_semaphore, #tpu.memory_space<semaphore_mem>>)
      %mul3A_232 = arith.constant 2 : i32
      %mul3A_233 = arith.muli %add3A_11, %mul3A_232 : i32
      %add3A_234 = arith.constant 1 : i32
      %add3A_235 = arith.addi %mul3A_233, %add3A_234 : i32
      %dma_start3A_236 = arith.constant 280 : i32
      %dma_start3A_237 = arith.constant 0 : i32
      %dma_start3A_238 = tpu.memref_slice %arg9[%dma_start3A_236, %dma_start3A_237] : memref<400x64xf32, #tpu.memory_space<vmem>> -> memref<40x64xf32, #tpu.memory_space<vmem>>
      %dma_start3A_239 = arith.constant 80 : i32
      %dma_start3A_240 = tpu.memref_slice %arg6[%add3A_235, %dma_start3A_239] : memref<128x200xi32, #tpu.memory_space<vmem>> -> memref<1x40xi32, #tpu.memory_space<vmem>>
      %dma_start3A_241 = tpu.memref_squeeze %dma_start3A_240 : memref<1x40xi32, #tpu.memory_space<vmem>> -> memref<40xi32, #tpu.memory_space<vmem>>
      %dma_start3A_242 = arith.constant 0 : i32
      %dma_start3A_243 = arith.constant 0 : i32
      %dma_start3A_244 = tpu.memref_slice %arg3[%dma_start3A_242, %dma_start3A_243] : memref<1000000x64xf32, #tpu.memory_space<hbm>> -> memref<1000000x64xf32, #tpu.memory_space<hbm>>
      tpu.enqueue_indirect_dma source(%dma_start3A_244 : memref<1000000x64xf32, #tpu.memory_space<hbm>>) target(%dma_start3A_238 : memref<40x64xf32, #tpu.memory_space<vmem>>) offsets(%dma_start3A_241 : memref<40xi32, #tpu.memory_space<vmem>>) semaphore(%arg11 : memref<!tpu.dma_semaphore, #tpu.memory_space<semaphore_mem>>)
      %mul3A_245 = arith.constant 2 : i32
      %mul3A_246 = arith.muli %add3A_11, %mul3A_245 : i32
      %add3A_247 = arith.constant 1 : i32
      %add3A_248 = arith.addi %mul3A_246, %add3A_247 : i32
      %dma_start3A_249 = arith.constant 320 : i32
      %dma_start3A_250 = arith.constant 0 : i32
      %dma_start3A_251 = tpu.memref_slice %arg9[%dma_start3A_249, %dma_start3A_250] : memref<400x64xf32, #tpu.memory_space<vmem>> -> memref<40x64xf32, #tpu.memory_space<vmem>>
      %dma_start3A_252 = arith.constant 120 : i32
      %dma_start3A_253 = tpu.memref_slice %arg6[%add3A_248, %dma_start3A_252] : memref<128x200xi32, #tpu.memory_space<vmem>> -> memref<1x40xi32, #tpu.memory_space<vmem>>
      %dma_start3A_254 = tpu.memref_squeeze %dma_start3A_253 : memref<1x40xi32, #tpu.memory_space<vmem>> -> memref<40xi32, #tpu.memory_space<vmem>>
      %dma_start3A_255 = arith.constant 0 : i32
      %dma_start3A_256 = arith.constant 0 : i32
      %dma_start3A_257 = tpu.memref_slice %arg3[%dma_start3A_255, %dma_start3A_256] : memref<1000000x64xf32, #tpu.memory_space<hbm>> -> memref<1000000x64xf32, #tpu.memory_space<hbm>>
      tpu.enqueue_indirect_dma source(%dma_start3A_257 : memref<1000000x64xf32, #tpu.memory_space<hbm>>) target(%dma_start3A_251 : memref<40x64xf32, #tpu.memory_space<vmem>>) offsets(%dma_start3A_254 : memref<40xi32, #tpu.memory_space<vmem>>) semaphore(%arg11 : memref<!tpu.dma_semaphore, #tpu.memory_space<semaphore_mem>>)
      %mul3A_258 = arith.constant 2 : i32
      %mul3A_259 = arith.muli %add3A_11, %mul3A_258 : i32
      %add3A_260 = arith.constant 1 : i32
      %add3A_261 = arith.addi %mul3A_259, %add3A_260 : i32
      %dma_start3A_262 = arith.constant 360 : i32
      %dma_start3A_263 = arith.constant 0 : i32
      %dma_start3A_264 = tpu.memref_slice %arg9[%dma_start3A_262, %dma_start3A_263] : memref<400x64xf32, #tpu.memory_space<vmem>> -> memref<40x64xf32, #tpu.memory_space<vmem>>
      %dma_start3A_265 = arith.constant 160 : i32
      %dma_start3A_266 = tpu.memref_slice %arg6[%add3A_261, %dma_start3A_265] : memref<128x200xi32, #tpu.memory_space<vmem>> -> memref<1x40xi32, #tpu.memory_space<vmem>>
      %dma_start3A_267 = tpu.memref_squeeze %dma_start3A_266 : memref<1x40xi32, #tpu.memory_space<vmem>> -> memref<40xi32, #tpu.memory_space<vmem>>
      %dma_start3A_268 = arith.constant 0 : i32
      %dma_start3A_269 = arith.constant 0 : i32
      %dma_start3A_270 = tpu.memref_slice %arg3[%dma_start3A_268, %dma_start3A_269] : memref<1000000x64xf32, #tpu.memory_space<hbm>> -> memref<1000000x64xf32, #tpu.memory_space<hbm>>
      tpu.enqueue_indirect_dma source(%dma_start3A_270 : memref<1000000x64xf32, #tpu.memory_space<hbm>>) target(%dma_start3A_264 : memref<40x64xf32, #tpu.memory_space<vmem>>) offsets(%dma_start3A_267 : memref<40xi32, #tpu.memory_space<vmem>>) semaphore(%arg11 : memref<!tpu.dma_semaphore, #tpu.memory_space<semaphore_mem>>)
      %dma_wait3A = arith.constant 0 : i32
      %dma_wait3A_271 = arith.constant 0 : i32
      %dma_wait3A_272 = tpu.memref_slice %arg8[%dma_wait3A, %dma_wait3A_271] : memref<400x64xf32, #tpu.memory_space<vmem>> -> memref<40x64xf32, #tpu.memory_space<vmem>>
      %dma_wait3A_273 = arith.constant 0 : i32
      %dma_wait3A_274 = tpu.memref_slice %arg6[%add3A_15, %dma_wait3A_273] : memref<128x200xi32, #tpu.memory_space<vmem>> -> memref<1x40xi32, #tpu.memory_space<vmem>>
      %dma_wait3A_275 = tpu.memref_squeeze %dma_wait3A_274 : memref<1x40xi32, #tpu.memory_space<vmem>> -> memref<40xi32, #tpu.memory_space<vmem>>
      %dma_wait3A_276 = arith.constant 0 : i32
      %dma_wait3A_277 = arith.constant 0 : i32
      %dma_wait3A_278 = tpu.memref_slice %arg3[%dma_wait3A_276, %dma_wait3A_277] : memref<1000000x64xf32, #tpu.memory_space<hbm>> -> memref<1000000x64xf32, #tpu.memory_space<hbm>>
      tpu.wait_indirect_dma semaphore(%arg10 : memref<!tpu.dma_semaphore, #tpu.memory_space<semaphore_mem>>) src(%dma_wait3A_278 : memref<1000000x64xf32, #tpu.memory_space<hbm>>) dst(%dma_wait3A_272 : memref<40x64xf32, #tpu.memory_space<vmem>>)
      %dma_wait3A_279 = arith.constant 40 : i32
      %dma_wait3A_280 = arith.constant 0 : i32
      %dma_wait3A_281 = tpu.memref_slice %arg8[%dma_wait3A_279, %dma_wait3A_280] : memref<400x64xf32, #tpu.memory_space<vmem>> -> memref<40x64xf32, #tpu.memory_space<vmem>>
      %dma_wait3A_282 = arith.constant 40 : i32
      %dma_wait3A_283 = tpu.memref_slice %arg6[%add3A_27, %dma_wait3A_282] : memref<128x200xi32, #tpu.memory_space<vmem>> -> memref<1x40xi32, #tpu.memory_space<vmem>>
      %dma_wait3A_284 = tpu.memref_squeeze %dma_wait3A_283 : memref<1x40xi32, #tpu.memory_space<vmem>> -> memref<40xi32, #tpu.memory_space<vmem>>
      %dma_wait3A_285 = arith.constant 0 : i32
      %dma_wait3A_286 = arith.constant 0 : i32
      %dma_wait3A_287 = tpu.memref_slice %arg3[%dma_wait3A_285, %dma_wait3A_286] : memref<1000000x64xf32, #tpu.memory_space<hbm>> -> memref<1000000x64xf32, #tpu.memory_space<hbm>>
      tpu.wait_indirect_dma semaphore(%arg10 : memref<!tpu.dma_semaphore, #tpu.memory_space<semaphore_mem>>) src(%dma_wait3A_287 : memref<1000000x64xf32, #tpu.memory_space<hbm>>) dst(%dma_wait3A_281 : memref<40x64xf32, #tpu.memory_space<vmem>>)
      %dma_wait3A_288 = arith.constant 80 : i32
      %dma_wait3A_289 = arith.constant 0 : i32
      %dma_wait3A_290 = tpu.memref_slice %arg8[%dma_wait3A_288, %dma_wait3A_289] : memref<400x64xf32, #tpu.memory_space<vmem>> -> memref<40x64xf32, #tpu.memory_space<vmem>>
      %dma_wait3A_291 = arith.constant 80 : i32
      %dma_wait3A_292 = tpu.memref_slice %arg6[%add3A_40, %dma_wait3A_291] : memref<128x200xi32, #tpu.memory_space<vmem>> -> memref<1x40xi32, #tpu.memory_space<vmem>>
      %dma_wait3A_293 = tpu.memref_squeeze %dma_wait3A_292 : memref<1x40xi32, #tpu.memory_space<vmem>> -> memref<40xi32, #tpu.memory_space<vmem>>
      %dma_wait3A_294 = arith.constant 0 : i32
      %dma_wait3A_295 = arith.constant 0 : i32
      %dma_wait3A_296 = tpu.memref_slice %arg3[%dma_wait3A_294, %dma_wait3A_295] : memref<1000000x64xf32, #tpu.memory_space<hbm>> -> memref<1000000x64xf32, #tpu.memory_space<hbm>>
      tpu.wait_indirect_dma semaphore(%arg10 : memref<!tpu.dma_semaphore, #tpu.memory_space<semaphore_mem>>) src(%dma_wait3A_296 : memref<1000000x64xf32, #tpu.memory_space<hbm>>) dst(%dma_wait3A_290 : memref<40x64xf32, #tpu.memory_space<vmem>>)
      %dma_wait3A_297 = arith.constant 120 : i32
      %dma_wait3A_298 = arith.constant 0 : i32
      %dma_wait3A_299 = tpu.memref_slice %arg8[%dma_wait3A_297, %dma_wait3A_298] : memref<400x64xf32, #tpu.memory_space<vmem>> -> memref<40x64xf32, #tpu.memory_space<vmem>>
      %dma_wait3A_300 = arith.constant 120 : i32
      %dma_wait3A_301 = tpu.memref_slice %arg6[%add3A_53, %dma_wait3A_300] : memref<128x200xi32, #tpu.memory_space<vmem>> -> memref<1x40xi32, #tpu.memory_space<vmem>>
      %dma_wait3A_302 = tpu.memref_squeeze %dma_wait3A_301 : memref<1x40xi32, #tpu.memory_space<vmem>> -> memref<40xi32, #tpu.memory_space<vmem>>
      %dma_wait3A_303 = arith.constant 0 : i32
      %dma_wait3A_304 = arith.constant 0 : i32
      %dma_wait3A_305 = tpu.memref_slice %arg3[%dma_wait3A_303, %dma_wait3A_304] : memref<1000000x64xf32, #tpu.memory_space<hbm>> -> memref<1000000x64xf32, #tpu.memory_space<hbm>>
      tpu.wait_indirect_dma semaphore(%arg10 : memref<!tpu.dma_semaphore, #tpu.memory_space<semaphore_mem>>) src(%dma_wait3A_305 : memref<1000000x64xf32, #tpu.memory_space<hbm>>) dst(%dma_wait3A_299 : memref<40x64xf32, #tpu.memory_space<vmem>>)
      %dma_wait3A_306 = arith.constant 160 : i32
      %dma_wait3A_307 = arith.constant 0 : i32
      %dma_wait3A_308 = tpu.memref_slice %arg8[%dma_wait3A_306, %dma_wait3A_307] : memref<400x64xf32, #tpu.memory_space<vmem>> -> memref<40x64xf32, #tpu.memory_space<vmem>>
      %dma_wait3A_309 = arith.constant 160 : i32
      %dma_wait3A_310 = tpu.memref_slice %arg6[%add3A_66, %dma_wait3A_309] : memref<128x200xi32, #tpu.memory_space<vmem>> -> memref<1x40xi32, #tpu.memory_space<vmem>>
      %dma_wait3A_311 = tpu.memref_squeeze %dma_wait3A_310 : memref<1x40xi32, #tpu.memory_space<vmem>> -> memref<40xi32, #tpu.memory_space<vmem>>
      %dma_wait3A_312 = arith.constant 0 : i32
      %dma_wait3A_313 = arith.constant 0 : i32
      %dma_wait3A_314 = tpu.memref_slice %arg3[%dma_wait3A_312, %dma_wait3A_313] : memref<1000000x64xf32, #tpu.memory_space<hbm>> -> memref<1000000x64xf32, #tpu.memory_space<hbm>>
      tpu.wait_indirect_dma semaphore(%arg10 : memref<!tpu.dma_semaphore, #tpu.memory_space<semaphore_mem>>) src(%dma_wait3A_314 : memref<1000000x64xf32, #tpu.memory_space<hbm>>) dst(%dma_wait3A_308 : memref<40x64xf32, #tpu.memory_space<vmem>>)
      %dma_wait3A_315 = arith.constant 200 : i32
      %dma_wait3A_316 = arith.constant 0 : i32
      %dma_wait3A_317 = tpu.memref_slice %arg8[%dma_wait3A_315, %dma_wait3A_316] : memref<400x64xf32, #tpu.memory_space<vmem>> -> memref<40x64xf32, #tpu.memory_space<vmem>>
      %dma_wait3A_318 = arith.constant 0 : i32
      %dma_wait3A_319 = tpu.memref_slice %arg6[%add3A_79, %dma_wait3A_318] : memref<128x200xi32, #tpu.memory_space<vmem>> -> memref<1x40xi32, #tpu.memory_space<vmem>>
      %dma_wait3A_320 = tpu.memref_squeeze %dma_wait3A_319 : memref<1x40xi32, #tpu.memory_space<vmem>> -> memref<40xi32, #tpu.memory_space<vmem>>
      %dma_wait3A_321 = arith.constant 0 : i32
      %dma_wait3A_322 = arith.constant 0 : i32
      %dma_wait3A_323 = tpu.memref_slice %arg3[%dma_wait3A_321, %dma_wait3A_322] : memref<1000000x64xf32, #tpu.memory_space<hbm>> -> memref<1000000x64xf32, #tpu.memory_space<hbm>>
      tpu.wait_indirect_dma semaphore(%arg10 : memref<!tpu.dma_semaphore, #tpu.memory_space<semaphore_mem>>) src(%dma_wait3A_323 : memref<1000000x64xf32, #tpu.memory_space<hbm>>) dst(%dma_wait3A_317 : memref<40x64xf32, #tpu.memory_space<vmem>>)
      %dma_wait3A_324 = arith.constant 240 : i32
      %dma_wait3A_325 = arith.constant 0 : i32
      %dma_wait3A_326 = tpu.memref_slice %arg8[%dma_wait3A_324, %dma_wait3A_325] : memref<400x64xf32, #tpu.memory_space<vmem>> -> memref<40x64xf32, #tpu.memory_space<vmem>>
      %dma_wait3A_327 = arith.constant 40 : i32
      %dma_wait3A_328 = tpu.memref_slice %arg6[%add3A_92, %dma_wait3A_327] : memref<128x200xi32, #tpu.memory_space<vmem>> -> memref<1x40xi32, #tpu.memory_space<vmem>>
      %dma_wait3A_329 = tpu.memref_squeeze %dma_wait3A_328 : memref<1x40xi32, #tpu.memory_space<vmem>> -> memref<40xi32, #tpu.memory_space<vmem>>
      %dma_wait3A_330 = arith.constant 0 : i32
      %dma_wait3A_331 = arith.constant 0 : i32
      %dma_wait3A_332 = tpu.memref_slice %arg3[%dma_wait3A_330, %dma_wait3A_331] : memref<1000000x64xf32, #tpu.memory_space<hbm>> -> memref<1000000x64xf32, #tpu.memory_space<hbm>>
      tpu.wait_indirect_dma semaphore(%arg10 : memref<!tpu.dma_semaphore, #tpu.memory_space<semaphore_mem>>) src(%dma_wait3A_332 : memref<1000000x64xf32, #tpu.memory_space<hbm>>) dst(%dma_wait3A_326 : memref<40x64xf32, #tpu.memory_space<vmem>>)
      %dma_wait3A_333 = arith.constant 280 : i32
      %dma_wait3A_334 = arith.constant 0 : i32
      %dma_wait3A_335 = tpu.memref_slice %arg8[%dma_wait3A_333, %dma_wait3A_334] : memref<400x64xf32, #tpu.memory_space<vmem>> -> memref<40x64xf32, #tpu.memory_space<vmem>>
      %dma_wait3A_336 = arith.constant 80 : i32
      %dma_wait3A_337 = tpu.memref_slice %arg6[%add3A_105, %dma_wait3A_336] : memref<128x200xi32, #tpu.memory_space<vmem>> -> memref<1x40xi32, #tpu.memory_space<vmem>>
      %dma_wait3A_338 = tpu.memref_squeeze %dma_wait3A_337 : memref<1x40xi32, #tpu.memory_space<vmem>> -> memref<40xi32, #tpu.memory_space<vmem>>
      %dma_wait3A_339 = arith.constant 0 : i32
      %dma_wait3A_340 = arith.constant 0 : i32
      %dma_wait3A_341 = tpu.memref_slice %arg3[%dma_wait3A_339, %dma_wait3A_340] : memref<1000000x64xf32, #tpu.memory_space<hbm>> -> memref<1000000x64xf32, #tpu.memory_space<hbm>>
      tpu.wait_indirect_dma semaphore(%arg10 : memref<!tpu.dma_semaphore, #tpu.memory_space<semaphore_mem>>) src(%dma_wait3A_341 : memref<1000000x64xf32, #tpu.memory_space<hbm>>) dst(%dma_wait3A_335 : memref<40x64xf32, #tpu.memory_space<vmem>>)
      %dma_wait3A_342 = arith.constant 320 : i32
      %dma_wait3A_343 = arith.constant 0 : i32
      %dma_wait3A_344 = tpu.memref_slice %arg8[%dma_wait3A_342, %dma_wait3A_343] : memref<400x64xf32, #tpu.memory_space<vmem>> -> memref<40x64xf32, #tpu.memory_space<vmem>>
      %dma_wait3A_345 = arith.constant 120 : i32
      %dma_wait3A_346 = tpu.memref_slice %arg6[%add3A_118, %dma_wait3A_345] : memref<128x200xi32, #tpu.memory_space<vmem>> -> memref<1x40xi32, #tpu.memory_space<vmem>>
      %dma_wait3A_347 = tpu.memref_squeeze %dma_wait3A_346 : memref<1x40xi32, #tpu.memory_space<vmem>> -> memref<40xi32, #tpu.memory_space<vmem>>
      %dma_wait3A_348 = arith.constant 0 : i32
      %dma_wait3A_349 = arith.constant 0 : i32
      %dma_wait3A_350 = tpu.memref_slice %arg3[%dma_wait3A_348, %dma_wait3A_349] : memref<1000000x64xf32, #tpu.memory_space<hbm>> -> memref<1000000x64xf32, #tpu.memory_space<hbm>>
      tpu.wait_indirect_dma semaphore(%arg10 : memref<!tpu.dma_semaphore, #tpu.memory_space<semaphore_mem>>) src(%dma_wait3A_350 : memref<1000000x64xf32, #tpu.memory_space<hbm>>) dst(%dma_wait3A_344 : memref<40x64xf32, #tpu.memory_space<vmem>>)
      %dma_wait3A_351 = arith.constant 360 : i32
      %dma_wait3A_352 = arith.constant 0 : i32
      %dma_wait3A_353 = tpu.memref_slice %arg8[%dma_wait3A_351, %dma_wait3A_352] : memref<400x64xf32, #tpu.memory_space<vmem>> -> memref<40x64xf32, #tpu.memory_space<vmem>>
      %dma_wait3A_354 = arith.constant 160 : i32
      %dma_wait3A_355 = tpu.memref_slice %arg6[%add3A_131, %dma_wait3A_354] : memref<128x200xi32, #tpu.memory_space<vmem>> -> memref<1x40xi32, #tpu.memory_space<vmem>>
      %dma_wait3A_356 = tpu.memref_squeeze %dma_wait3A_355 : memref<1x40xi32, #tpu.memory_space<vmem>> -> memref<40xi32, #tpu.memory_space<vmem>>
      %dma_wait3A_357 = arith.constant 0 : i32
      %dma_wait3A_358 = arith.constant 0 : i32
      %dma_wait3A_359 = tpu.memref_slice %arg3[%dma_wait3A_357, %dma_wait3A_358] : memref<1000000x64xf32, #tpu.memory_space<hbm>> -> memref<1000000x64xf32, #tpu.memory_space<hbm>>
      tpu.wait_indirect_dma semaphore(%arg10 : memref<!tpu.dma_semaphore, #tpu.memory_space<semaphore_mem>>) src(%dma_wait3A_359 : memref<1000000x64xf32, #tpu.memory_space<hbm>>) dst(%dma_wait3A_353 : memref<40x64xf32, #tpu.memory_space<vmem>>)
      %parallel_loop3A = arith.constant 0 : i32
      %parallel_loop3A_360 = arith.constant 200 : i32
      %parallel_loop3A_361 = arith.constant 1 : i32
      scf.for %parallel_loop3A_593 = %parallel_loop3A to %parallel_loop3A_360 step %parallel_loop3A_361  : i32 {
        %parallel_loop3A_594 = arith.constant 0 : i32
        %parallel_loop3A_595 = arith.addi %parallel_loop3A_594, %parallel_loop3A_593 : i32
        %parallel_loop3A_596 = arith.index_cast %parallel_loop3A_595 : i32 to index
        %parallel_loop3A_597 = arith.constant 0 : index
        %parallel_loop3A_598 = tpu.vector_load %arg8[%parallel_loop3A_596, %parallel_loop3A_597] {strides = array<i32>} : memref<400x64xf32, #tpu.memory_space<vmem>>, vector<16xf32>,
        %parallel_loop3A_599 = arith.index_cast %parallel_loop3A_593 : i32 to index
        %parallel_loop3A_600 = arith.constant 0 : index
        %parallel_loop3A_601 = tpu.vector_load %arg7[%parallel_loop3A_599, %parallel_loop3A_600] {strides = array<i32>} : memref<200x64xf32, #tpu.memory_space<vmem>>, vector<16xf32>,
        %parallel_loop3A_602 = arith.addf %parallel_loop3A_598, %parallel_loop3A_601 : vector<16xf32>
        %parallel_loop3A_603 = arith.constant 0 : i32
        %parallel_loop3A_604 = arith.addi %parallel_loop3A_603, %parallel_loop3A_593 : i32
        %parallel_loop3A_605 = arith.index_cast %parallel_loop3A_604 : i32 to index
        %parallel_loop3A_606 = arith.constant 0 : index
        %parallel_loop3A_607 = tpu.vector_load %arg8[%parallel_loop3A_605, %parallel_loop3A_606] {strides = array<i32>} : memref<400x64xf32, #tpu.memory_space<vmem>>, vector<16xf32>,
        tpu.vector_store %arg8[%parallel_loop3A_605, %parallel_loop3A_606], %parallel_loop3A_602 {strides = array<i32>} : memref<400x64xf32, #tpu.memory_space<vmem>>, vector<16xf32>,
        %parallel_loop3A_608 = arith.constant 0 : i32
        %parallel_loop3A_609 = arith.addi %parallel_loop3A_608, %parallel_loop3A_593 : i32
        %parallel_loop3A_610 = arith.index_cast %parallel_loop3A_609 : i32 to index
        %parallel_loop3A_611 = arith.constant 16 : index
        %parallel_loop3A_612 = tpu.vector_load %arg8[%parallel_loop3A_610, %parallel_loop3A_611] {strides = array<i32>} : memref<400x64xf32, #tpu.memory_space<vmem>>, vector<16xf32>,
        %parallel_loop3A_613 = arith.index_cast %parallel_loop3A_593 : i32 to index
        %parallel_loop3A_614 = arith.constant 16 : index
        %parallel_loop3A_615 = tpu.vector_load %arg7[%parallel_loop3A_613, %parallel_loop3A_614] {strides = array<i32>} : memref<200x64xf32, #tpu.memory_space<vmem>>, vector<16xf32>,
        %parallel_loop3A_616 = arith.addf %parallel_loop3A_612, %parallel_loop3A_615 : vector<16xf32>
        %parallel_loop3A_617 = arith.constant 0 : i32
        %parallel_loop3A_618 = arith.addi %parallel_loop3A_617, %parallel_loop3A_593 : i32
        %parallel_loop3A_619 = arith.index_cast %parallel_loop3A_618 : i32 to index
        %parallel_loop3A_620 = arith.constant 16 : index
        %parallel_loop3A_621 = tpu.vector_load %arg8[%parallel_loop3A_619, %parallel_loop3A_620] {strides = array<i32>} : memref<400x64xf32, #tpu.memory_space<vmem>>, vector<16xf32>,
        tpu.vector_store %arg8[%parallel_loop3A_619, %parallel_loop3A_620], %parallel_loop3A_616 {strides = array<i32>} : memref<400x64xf32, #tpu.memory_space<vmem>>, vector<16xf32>,
        %parallel_loop3A_622 = arith.constant 0 : i32
        %parallel_loop3A_623 = arith.addi %parallel_loop3A_622, %parallel_loop3A_593 : i32
        %parallel_loop3A_624 = arith.index_cast %parallel_loop3A_623 : i32 to index
        %parallel_loop3A_625 = arith.constant 32 : index
        %parallel_loop3A_626 = tpu.vector_load %arg8[%parallel_loop3A_624, %parallel_loop3A_625] {strides = array<i32>} : memref<400x64xf32, #tpu.memory_space<vmem>>, vector<16xf32>,
        %parallel_loop3A_627 = arith.index_cast %parallel_loop3A_593 : i32 to index
        %parallel_loop3A_628 = arith.constant 32 : index
        %parallel_loop3A_629 = tpu.vector_load %arg7[%parallel_loop3A_627, %parallel_loop3A_628] {strides = array<i32>} : memref<200x64xf32, #tpu.memory_space<vmem>>, vector<16xf32>,
        %parallel_loop3A_630 = arith.addf %parallel_loop3A_626, %parallel_loop3A_629 : vector<16xf32>
        %parallel_loop3A_631 = arith.constant 0 : i32
        %parallel_loop3A_632 = arith.addi %parallel_loop3A_631, %parallel_loop3A_593 : i32
        %parallel_loop3A_633 = arith.index_cast %parallel_loop3A_632 : i32 to index
        %parallel_loop3A_634 = arith.constant 32 : index
        %parallel_loop3A_635 = tpu.vector_load %arg8[%parallel_loop3A_633, %parallel_loop3A_634] {strides = array<i32>} : memref<400x64xf32, #tpu.memory_space<vmem>>, vector<16xf32>,
        tpu.vector_store %arg8[%parallel_loop3A_633, %parallel_loop3A_634], %parallel_loop3A_630 {strides = array<i32>} : memref<400x64xf32, #tpu.memory_space<vmem>>, vector<16xf32>,
        %parallel_loop3A_636 = arith.constant 0 : i32
        %parallel_loop3A_637 = arith.addi %parallel_loop3A_636, %parallel_loop3A_593 : i32
        %parallel_loop3A_638 = arith.index_cast %parallel_loop3A_637 : i32 to index
        %parallel_loop3A_639 = arith.constant 48 : index
        %parallel_loop3A_640 = tpu.vector_load %arg8[%parallel_loop3A_638, %parallel_loop3A_639] {strides = array<i32>} : memref<400x64xf32, #tpu.memory_space<vmem>>, vector<16xf32>,
        %parallel_loop3A_641 = arith.index_cast %parallel_loop3A_593 : i32 to index
        %parallel_loop3A_642 = arith.constant 48 : index
        %parallel_loop3A_643 = tpu.vector_load %arg7[%parallel_loop3A_641, %parallel_loop3A_642] {strides = array<i32>} : memref<200x64xf32, #tpu.memory_space<vmem>>, vector<16xf32>,
        %parallel_loop3A_644 = arith.addf %parallel_loop3A_640, %parallel_loop3A_643 : vector<16xf32>
        %parallel_loop3A_645 = arith.constant 0 : i32
        %parallel_loop3A_646 = arith.addi %parallel_loop3A_645, %parallel_loop3A_593 : i32
        %parallel_loop3A_647 = arith.index_cast %parallel_loop3A_646 : i32 to index
        %parallel_loop3A_648 = arith.constant 48 : index
        %parallel_loop3A_649 = tpu.vector_load %arg8[%parallel_loop3A_647, %parallel_loop3A_648] {strides = array<i32>} : memref<400x64xf32, #tpu.memory_space<vmem>>, vector<16xf32>,
        tpu.vector_store %arg8[%parallel_loop3A_647, %parallel_loop3A_648], %parallel_loop3A_644 {strides = array<i32>} : memref<400x64xf32, #tpu.memory_space<vmem>>, vector<16xf32>,
      } {sc.loop_unroll_factor = 8 : i64, sc.parallel_access}
      %parallel_loop3A_362 = arith.constant 0 : i32
      %parallel_loop3A_363 = arith.constant 200 : i32
      %parallel_loop3A_364 = arith.constant 1 : i32
      scf.for %parallel_loop3A_593 = %parallel_loop3A_362 to %parallel_loop3A_363 step %parallel_loop3A_364  : i32 {
        %parallel_loop3A_594 = arith.constant 200 : i32
        %parallel_loop3A_595 = arith.addi %parallel_loop3A_594, %parallel_loop3A_593 : i32
        %parallel_loop3A_596 = arith.index_cast %parallel_loop3A_595 : i32 to index
        %parallel_loop3A_597 = arith.constant 0 : index
        %parallel_loop3A_598 = tpu.vector_load %arg8[%parallel_loop3A_596, %parallel_loop3A_597] {strides = array<i32>} : memref<400x64xf32, #tpu.memory_space<vmem>>, vector<16xf32>,
        %parallel_loop3A_599 = arith.index_cast %parallel_loop3A_593 : i32 to index
        %parallel_loop3A_600 = arith.constant 0 : index
        %parallel_loop3A_601 = tpu.vector_load %arg7[%parallel_loop3A_599, %parallel_loop3A_600] {strides = array<i32>} : memref<200x64xf32, #tpu.memory_space<vmem>>, vector<16xf32>,
        %parallel_loop3A_602 = arith.addf %parallel_loop3A_598, %parallel_loop3A_601 : vector<16xf32>
        %parallel_loop3A_603 = arith.constant 200 : i32
        %parallel_loop3A_604 = arith.addi %parallel_loop3A_603, %parallel_loop3A_593 : i32
        %parallel_loop3A_605 = arith.index_cast %parallel_loop3A_604 : i32 to index
        %parallel_loop3A_606 = arith.constant 0 : index
        %parallel_loop3A_607 = tpu.vector_load %arg8[%parallel_loop3A_605, %parallel_loop3A_606] {strides = array<i32>} : memref<400x64xf32, #tpu.memory_space<vmem>>, vector<16xf32>,
        tpu.vector_store %arg8[%parallel_loop3A_605, %parallel_loop3A_606], %parallel_loop3A_602 {strides = array<i32>} : memref<400x64xf32, #tpu.memory_space<vmem>>, vector<16xf32>,
        %parallel_loop3A_608 = arith.constant 200 : i32
        %parallel_loop3A_609 = arith.addi %parallel_loop3A_608, %parallel_loop3A_593 : i32
        %parallel_loop3A_610 = arith.index_cast %parallel_loop3A_609 : i32 to index
        %parallel_loop3A_611 = arith.constant 16 : index
        %parallel_loop3A_612 = tpu.vector_load %arg8[%parallel_loop3A_610, %parallel_loop3A_611] {strides = array<i32>} : memref<400x64xf32, #tpu.memory_space<vmem>>, vector<16xf32>,
        %parallel_loop3A_613 = arith.index_cast %parallel_loop3A_593 : i32 to index
        %parallel_loop3A_614 = arith.constant 16 : index
        %parallel_loop3A_615 = tpu.vector_load %arg7[%parallel_loop3A_613, %parallel_loop3A_614] {strides = array<i32>} : memref<200x64xf32, #tpu.memory_space<vmem>>, vector<16xf32>,
        %parallel_loop3A_616 = arith.addf %parallel_loop3A_612, %parallel_loop3A_615 : vector<16xf32>
        %parallel_loop3A_617 = arith.constant 200 : i32
        %parallel_loop3A_618 = arith.addi %parallel_loop3A_617, %parallel_loop3A_593 : i32
        %parallel_loop3A_619 = arith.index_cast %parallel_loop3A_618 : i32 to index
        %parallel_loop3A_620 = arith.constant 16 : index
        %parallel_loop3A_621 = tpu.vector_load %arg8[%parallel_loop3A_619, %parallel_loop3A_620] {strides = array<i32>} : memref<400x64xf32, #tpu.memory_space<vmem>>, vector<16xf32>,
        tpu.vector_store %arg8[%parallel_loop3A_619, %parallel_loop3A_620], %parallel_loop3A_616 {strides = array<i32>} : memref<400x64xf32, #tpu.memory_space<vmem>>, vector<16xf32>,
        %parallel_loop3A_622 = arith.constant 200 : i32
        %parallel_loop3A_623 = arith.addi %parallel_loop3A_622, %parallel_loop3A_593 : i32
        %parallel_loop3A_624 = arith.index_cast %parallel_loop3A_623 : i32 to index
        %parallel_loop3A_625 = arith.constant 32 : index
        %parallel_loop3A_626 = tpu.vector_load %arg8[%parallel_loop3A_624, %parallel_loop3A_625] {strides = array<i32>} : memref<400x64xf32, #tpu.memory_space<vmem>>, vector<16xf32>,
        %parallel_loop3A_627 = arith.index_cast %parallel_loop3A_593 : i32 to index
        %parallel_loop3A_628 = arith.constant 32 : index
        %parallel_loop3A_629 = tpu.vector_load %arg7[%parallel_loop3A_627, %parallel_loop3A_628] {strides = array<i32>} : memref<200x64xf32, #tpu.memory_space<vmem>>, vector<16xf32>,
        %parallel_loop3A_630 = arith.addf %parallel_loop3A_626, %parallel_loop3A_629 : vector<16xf32>
        %parallel_loop3A_631 = arith.constant 200 : i32
        %parallel_loop3A_632 = arith.addi %parallel_loop3A_631, %parallel_loop3A_593 : i32
        %parallel_loop3A_633 = arith.index_cast %parallel_loop3A_632 : i32 to index
        %parallel_loop3A_634 = arith.constant 32 : index
        %parallel_loop3A_635 = tpu.vector_load %arg8[%parallel_loop3A_633, %parallel_loop3A_634] {strides = array<i32>} : memref<400x64xf32, #tpu.memory_space<vmem>>, vector<16xf32>,
        tpu.vector_store %arg8[%parallel_loop3A_633, %parallel_loop3A_634], %parallel_loop3A_630 {strides = array<i32>} : memref<400x64xf32, #tpu.memory_space<vmem>>, vector<16xf32>,
        %parallel_loop3A_636 = arith.constant 200 : i32
        %parallel_loop3A_637 = arith.addi %parallel_loop3A_636, %parallel_loop3A_593 : i32
        %parallel_loop3A_638 = arith.index_cast %parallel_loop3A_637 : i32 to index
        %parallel_loop3A_639 = arith.constant 48 : index
        %parallel_loop3A_640 = tpu.vector_load %arg8[%parallel_loop3A_638, %parallel_loop3A_639] {strides = array<i32>} : memref<400x64xf32, #tpu.memory_space<vmem>>, vector<16xf32>,
        %parallel_loop3A_641 = arith.index_cast %parallel_loop3A_593 : i32 to index
        %parallel_loop3A_642 = arith.constant 48 : index
        %parallel_loop3A_643 = tpu.vector_load %arg7[%parallel_loop3A_641, %parallel_loop3A_642] {strides = array<i32>} : memref<200x64xf32, #tpu.memory_space<vmem>>, vector<16xf32>,
        %parallel_loop3A_644 = arith.addf %parallel_loop3A_640, %parallel_loop3A_643 : vector<16xf32>
        %parallel_loop3A_645 = arith.constant 200 : i32
        %parallel_loop3A_646 = arith.addi %parallel_loop3A_645, %parallel_loop3A_593 : i32
        %parallel_loop3A_647 = arith.index_cast %parallel_loop3A_646 : i32 to index
        %parallel_loop3A_648 = arith.constant 48 : index
        %parallel_loop3A_649 = tpu.vector_load %arg8[%parallel_loop3A_647, %parallel_loop3A_648] {strides = array<i32>} : memref<400x64xf32, #tpu.memory_space<vmem>>, vector<16xf32>,
        tpu.vector_store %arg8[%parallel_loop3A_647, %parallel_loop3A_648], %parallel_loop3A_644 {strides = array<i32>} : memref<400x64xf32, #tpu.memory_space<vmem>>, vector<16xf32>,
      } {sc.loop_unroll_factor = 8 : i64, sc.parallel_access}
      %mul3A_365 = arith.constant 2 : i32
      %mul3A_366 = arith.muli %mul3A_9, %mul3A_365 : i32
      %add3A_367 = arith.addi %mul3A_2, %mul3A_366 : i32
      %add3A_368 = arith.constant 0 : i32
      %add3A_369 = arith.addi %add3A_367, %add3A_368 : i32
      %dma_start3A_370 = arith.constant 0 : i32
      %dma_start3A_371 = arith.constant 0 : i32
      %dma_start3A_372 = tpu.memref_slice %arg8[%dma_start3A_370, %dma_start3A_371] : memref<400x64xf32, #tpu.memory_space<vmem>> -> memref<200x64xf32, #tpu.memory_space<vmem>>
      %dma_start3A_373 = arith.constant 0 : i32
      %dma_start3A_374 = arith.constant 0 : i32
      %dma_start3A_375 = tpu.memref_slice %arg5[%add3A_369, %dma_start3A_373, %dma_start3A_374] : memref<4096x200x64xf32, #tpu.memory_space<hbm>> -> memref<1x200x64xf32, #tpu.memory_space<hbm>>
      %dma_start3A_376 = tpu.memref_squeeze %dma_start3A_375 : memref<1x200x64xf32, #tpu.memory_space<hbm>> -> memref<200x64xf32, #tpu.memory_space<hbm>>
      %dma_start3A_377 = arith.constant 0 : i32
      %dma_start3A_378 = arith.constant 0 : i32
      %dma_start3A_379 = tpu.memref_slice %arg5[%add3A_369, %dma_start3A_377, %dma_start3A_378] : memref<4096x200x64xf32, #tpu.memory_space<hbm>> -> memref<1x200x64xf32, #tpu.memory_space<hbm>>
      %dma_start3A_380 = tpu.memref_squeeze %dma_start3A_379 : memref<1x200x64xf32, #tpu.memory_space<hbm>> -> memref<200x64xf32, #tpu.memory_space<hbm>>
      %dma_start3A_381 = arith.constant 0 : i32
      %dma_start3A_382 = arith.constant 0 : i32
      %dma_start3A_383 = tpu.memref_slice %arg8[%dma_start3A_381, %dma_start3A_382] : memref<400x64xf32, #tpu.memory_space<vmem>> -> memref<200x64xf32, #tpu.memory_space<vmem>>
      tpu.enqueue_dma source(%dma_start3A_383 : memref<200x64xf32, #tpu.memory_space<vmem>>) target(%dma_start3A_380 : memref<200x64xf32, #tpu.memory_space<hbm>>) target_semaphore(%arg12 : memref<!tpu.dma_semaphore, #tpu.memory_space<semaphore_mem>>)
      %mul3A_384 = arith.constant 2 : i32
      %mul3A_385 = arith.muli %mul3A_9, %mul3A_384 : i32
      %add3A_386 = arith.addi %mul3A_2, %mul3A_385 : i32
      %add3A_387 = arith.constant 1 : i32
      %add3A_388 = arith.addi %add3A_386, %add3A_387 : i32
      %dma_start3A_389 = arith.constant 200 : i32
      %dma_start3A_390 = arith.constant 0 : i32
      %dma_start3A_391 = tpu.memref_slice %arg8[%dma_start3A_389, %dma_start3A_390] : memref<400x64xf32, #tpu.memory_space<vmem>> -> memref<200x64xf32, #tpu.memory_space<vmem>>
      %dma_start3A_392 = arith.constant 0 : i32
      %dma_start3A_393 = arith.constant 0 : i32
      %dma_start3A_394 = tpu.memref_slice %arg5[%add3A_388, %dma_start3A_392, %dma_start3A_393] : memref<4096x200x64xf32, #tpu.memory_space<hbm>> -> memref<1x200x64xf32, #tpu.memory_space<hbm>>
      %dma_start3A_395 = tpu.memref_squeeze %dma_start3A_394 : memref<1x200x64xf32, #tpu.memory_space<hbm>> -> memref<200x64xf32, #tpu.memory_space<hbm>>
      %dma_start3A_396 = arith.constant 0 : i32
      %dma_start3A_397 = arith.constant 0 : i32
      %dma_start3A_398 = tpu.memref_slice %arg5[%add3A_388, %dma_start3A_396, %dma_start3A_397] : memref<4096x200x64xf32, #tpu.memory_space<hbm>> -> memref<1x200x64xf32, #tpu.memory_space<hbm>>
      %dma_start3A_399 = tpu.memref_squeeze %dma_start3A_398 : memref<1x200x64xf32, #tpu.memory_space<hbm>> -> memref<200x64xf32, #tpu.memory_space<hbm>>
      %dma_start3A_400 = arith.constant 200 : i32
      %dma_start3A_401 = arith.constant 0 : i32
      %dma_start3A_402 = tpu.memref_slice %arg8[%dma_start3A_400, %dma_start3A_401] : memref<400x64xf32, #tpu.memory_space<vmem>> -> memref<200x64xf32, #tpu.memory_space<vmem>>
      tpu.enqueue_dma source(%dma_start3A_402 : memref<200x64xf32, #tpu.memory_space<vmem>>) target(%dma_start3A_399 : memref<200x64xf32, #tpu.memory_space<hbm>>) target_semaphore(%arg12 : memref<!tpu.dma_semaphore, #tpu.memory_space<semaphore_mem>>)
      %dma_wait3A_403 = arith.constant 0 : i32
      %dma_wait3A_404 = arith.constant 0 : i32
      %dma_wait3A_405 = tpu.memref_slice %arg9[%dma_wait3A_403, %dma_wait3A_404] : memref<400x64xf32, #tpu.memory_space<vmem>> -> memref<40x64xf32, #tpu.memory_space<vmem>>
      %dma_wait3A_406 = arith.constant 0 : i32
      %dma_wait3A_407 = tpu.memref_slice %arg6[%add3A_144, %dma_wait3A_406] : memref<128x200xi32, #tpu.memory_space<vmem>> -> memref<1x40xi32, #tpu.memory_space<vmem>>
      %dma_wait3A_408 = tpu.memref_squeeze %dma_wait3A_407 : memref<1x40xi32, #tpu.memory_space<vmem>> -> memref<40xi32, #tpu.memory_space<vmem>>
      %dma_wait3A_409 = arith.constant 0 : i32
      %dma_wait3A_410 = arith.constant 0 : i32
      %dma_wait3A_411 = tpu.memref_slice %arg3[%dma_wait3A_409, %dma_wait3A_410] : memref<1000000x64xf32, #tpu.memory_space<hbm>> -> memref<1000000x64xf32, #tpu.memory_space<hbm>>
      tpu.wait_indirect_dma semaphore(%arg11 : memref<!tpu.dma_semaphore, #tpu.memory_space<semaphore_mem>>) src(%dma_wait3A_411 : memref<1000000x64xf32, #tpu.memory_space<hbm>>) dst(%dma_wait3A_405 : memref<40x64xf32, #tpu.memory_space<vmem>>)
      %dma_wait3A_412 = arith.constant 40 : i32
      %dma_wait3A_413 = arith.constant 0 : i32
      %dma_wait3A_414 = tpu.memref_slice %arg9[%dma_wait3A_412, %dma_wait3A_413] : memref<400x64xf32, #tpu.memory_space<vmem>> -> memref<40x64xf32, #tpu.memory_space<vmem>>
      %dma_wait3A_415 = arith.constant 40 : i32
      %dma_wait3A_416 = tpu.memref_slice %arg6[%add3A_157, %dma_wait3A_415] : memref<128x200xi32, #tpu.memory_space<vmem>> -> memref<1x40xi32, #tpu.memory_space<vmem>>
      %dma_wait3A_417 = tpu.memref_squeeze %dma_wait3A_416 : memref<1x40xi32, #tpu.memory_space<vmem>> -> memref<40xi32, #tpu.memory_space<vmem>>
      %dma_wait3A_418 = arith.constant 0 : i32
      %dma_wait3A_419 = arith.constant 0 : i32
      %dma_wait3A_420 = tpu.memref_slice %arg3[%dma_wait3A_418, %dma_wait3A_419] : memref<1000000x64xf32, #tpu.memory_space<hbm>> -> memref<1000000x64xf32, #tpu.memory_space<hbm>>
      tpu.wait_indirect_dma semaphore(%arg11 : memref<!tpu.dma_semaphore, #tpu.memory_space<semaphore_mem>>) src(%dma_wait3A_420 : memref<1000000x64xf32, #tpu.memory_space<hbm>>) dst(%dma_wait3A_414 : memref<40x64xf32, #tpu.memory_space<vmem>>)
      %dma_wait3A_421 = arith.constant 80 : i32
      %dma_wait3A_422 = arith.constant 0 : i32
      %dma_wait3A_423 = tpu.memref_slice %arg9[%dma_wait3A_421, %dma_wait3A_422] : memref<400x64xf32, #tpu.memory_space<vmem>> -> memref<40x64xf32, #tpu.memory_space<vmem>>
      %dma_wait3A_424 = arith.constant 80 : i32
      %dma_wait3A_425 = tpu.memref_slice %arg6[%add3A_170, %dma_wait3A_424] : memref<128x200xi32, #tpu.memory_space<vmem>> -> memref<1x40xi32, #tpu.memory_space<vmem>>
      %dma_wait3A_426 = tpu.memref_squeeze %dma_wait3A_425 : memref<1x40xi32, #tpu.memory_space<vmem>> -> memref<40xi32, #tpu.memory_space<vmem>>
      %dma_wait3A_427 = arith.constant 0 : i32
      %dma_wait3A_428 = arith.constant 0 : i32
      %dma_wait3A_429 = tpu.memref_slice %arg3[%dma_wait3A_427, %dma_wait3A_428] : memref<1000000x64xf32, #tpu.memory_space<hbm>> -> memref<1000000x64xf32, #tpu.memory_space<hbm>>
      tpu.wait_indirect_dma semaphore(%arg11 : memref<!tpu.dma_semaphore, #tpu.memory_space<semaphore_mem>>) src(%dma_wait3A_429 : memref<1000000x64xf32, #tpu.memory_space<hbm>>) dst(%dma_wait3A_423 : memref<40x64xf32, #tpu.memory_space<vmem>>)
      %dma_wait3A_430 = arith.constant 120 : i32
      %dma_wait3A_431 = arith.constant 0 : i32
      %dma_wait3A_432 = tpu.memref_slice %arg9[%dma_wait3A_430, %dma_wait3A_431] : memref<400x64xf32, #tpu.memory_space<vmem>> -> memref<40x64xf32, #tpu.memory_space<vmem>>
      %dma_wait3A_433 = arith.constant 120 : i32
      %dma_wait3A_434 = tpu.memref_slice %arg6[%add3A_183, %dma_wait3A_433] : memref<128x200xi32, #tpu.memory_space<vmem>> -> memref<1x40xi32, #tpu.memory_space<vmem>>
      %dma_wait3A_435 = tpu.memref_squeeze %dma_wait3A_434 : memref<1x40xi32, #tpu.memory_space<vmem>> -> memref<40xi32, #tpu.memory_space<vmem>>
      %dma_wait3A_436 = arith.constant 0 : i32
      %dma_wait3A_437 = arith.constant 0 : i32
      %dma_wait3A_438 = tpu.memref_slice %arg3[%dma_wait3A_436, %dma_wait3A_437] : memref<1000000x64xf32, #tpu.memory_space<hbm>> -> memref<1000000x64xf32, #tpu.memory_space<hbm>>
      tpu.wait_indirect_dma semaphore(%arg11 : memref<!tpu.dma_semaphore, #tpu.memory_space<semaphore_mem>>) src(%dma_wait3A_438 : memref<1000000x64xf32, #tpu.memory_space<hbm>>) dst(%dma_wait3A_432 : memref<40x64xf32, #tpu.memory_space<vmem>>)
      %dma_wait3A_439 = arith.constant 160 : i32
      %dma_wait3A_440 = arith.constant 0 : i32
      %dma_wait3A_441 = tpu.memref_slice %arg9[%dma_wait3A_439, %dma_wait3A_440] : memref<400x64xf32, #tpu.memory_space<vmem>> -> memref<40x64xf32, #tpu.memory_space<vmem>>
      %dma_wait3A_442 = arith.constant 160 : i32
      %dma_wait3A_443 = tpu.memref_slice %arg6[%add3A_196, %dma_wait3A_442] : memref<128x200xi32, #tpu.memory_space<vmem>> -> memref<1x40xi32, #tpu.memory_space<vmem>>
      %dma_wait3A_444 = tpu.memref_squeeze %dma_wait3A_443 : memref<1x40xi32, #tpu.memory_space<vmem>> -> memref<40xi32, #tpu.memory_space<vmem>>
      %dma_wait3A_445 = arith.constant 0 : i32
      %dma_wait3A_446 = arith.constant 0 : i32
      %dma_wait3A_447 = tpu.memref_slice %arg3[%dma_wait3A_445, %dma_wait3A_446] : memref<1000000x64xf32, #tpu.memory_space<hbm>> -> memref<1000000x64xf32, #tpu.memory_space<hbm>>
      tpu.wait_indirect_dma semaphore(%arg11 : memref<!tpu.dma_semaphore, #tpu.memory_space<semaphore_mem>>) src(%dma_wait3A_447 : memref<1000000x64xf32, #tpu.memory_space<hbm>>) dst(%dma_wait3A_441 : memref<40x64xf32, #tpu.memory_space<vmem>>)
      %dma_wait3A_448 = arith.constant 200 : i32
      %dma_wait3A_449 = arith.constant 0 : i32
      %dma_wait3A_450 = tpu.memref_slice %arg9[%dma_wait3A_448, %dma_wait3A_449] : memref<400x64xf32, #tpu.memory_space<vmem>> -> memref<40x64xf32, #tpu.memory_space<vmem>>
      %dma_wait3A_451 = arith.constant 0 : i32
      %dma_wait3A_452 = tpu.memref_slice %arg6[%add3A_209, %dma_wait3A_451] : memref<128x200xi32, #tpu.memory_space<vmem>> -> memref<1x40xi32, #tpu.memory_space<vmem>>
      %dma_wait3A_453 = tpu.memref_squeeze %dma_wait3A_452 : memref<1x40xi32, #tpu.memory_space<vmem>> -> memref<40xi32, #tpu.memory_space<vmem>>
      %dma_wait3A_454 = arith.constant 0 : i32
      %dma_wait3A_455 = arith.constant 0 : i32
      %dma_wait3A_456 = tpu.memref_slice %arg3[%dma_wait3A_454, %dma_wait3A_455] : memref<1000000x64xf32, #tpu.memory_space<hbm>> -> memref<1000000x64xf32, #tpu.memory_space<hbm>>
      tpu.wait_indirect_dma semaphore(%arg11 : memref<!tpu.dma_semaphore, #tpu.memory_space<semaphore_mem>>) src(%dma_wait3A_456 : memref<1000000x64xf32, #tpu.memory_space<hbm>>) dst(%dma_wait3A_450 : memref<40x64xf32, #tpu.memory_space<vmem>>)
      %dma_wait3A_457 = arith.constant 240 : i32
      %dma_wait3A_458 = arith.constant 0 : i32
      %dma_wait3A_459 = tpu.memref_slice %arg9[%dma_wait3A_457, %dma_wait3A_458] : memref<400x64xf32, #tpu.memory_space<vmem>> -> memref<40x64xf32, #tpu.memory_space<vmem>>
      %dma_wait3A_460 = arith.constant 40 : i32
      %dma_wait3A_461 = tpu.memref_slice %arg6[%add3A_222, %dma_wait3A_460] : memref<128x200xi32, #tpu.memory_space<vmem>> -> memref<1x40xi32, #tpu.memory_space<vmem>>
      %dma_wait3A_462 = tpu.memref_squeeze %dma_wait3A_461 : memref<1x40xi32, #tpu.memory_space<vmem>> -> memref<40xi32, #tpu.memory_space<vmem>>
      %dma_wait3A_463 = arith.constant 0 : i32
      %dma_wait3A_464 = arith.constant 0 : i32
      %dma_wait3A_465 = tpu.memref_slice %arg3[%dma_wait3A_463, %dma_wait3A_464] : memref<1000000x64xf32, #tpu.memory_space<hbm>> -> memref<1000000x64xf32, #tpu.memory_space<hbm>>
      tpu.wait_indirect_dma semaphore(%arg11 : memref<!tpu.dma_semaphore, #tpu.memory_space<semaphore_mem>>) src(%dma_wait3A_465 : memref<1000000x64xf32, #tpu.memory_space<hbm>>) dst(%dma_wait3A_459 : memref<40x64xf32, #tpu.memory_space<vmem>>)
      %dma_wait3A_466 = arith.constant 280 : i32
      %dma_wait3A_467 = arith.constant 0 : i32
      %dma_wait3A_468 = tpu.memref_slice %arg9[%dma_wait3A_466, %dma_wait3A_467] : memref<400x64xf32, #tpu.memory_space<vmem>> -> memref<40x64xf32, #tpu.memory_space<vmem>>
      %dma_wait3A_469 = arith.constant 80 : i32
      %dma_wait3A_470 = tpu.memref_slice %arg6[%add3A_235, %dma_wait3A_469] : memref<128x200xi32, #tpu.memory_space<vmem>> -> memref<1x40xi32, #tpu.memory_space<vmem>>
      %dma_wait3A_471 = tpu.memref_squeeze %dma_wait3A_470 : memref<1x40xi32, #tpu.memory_space<vmem>> -> memref<40xi32, #tpu.memory_space<vmem>>
      %dma_wait3A_472 = arith.constant 0 : i32
      %dma_wait3A_473 = arith.constant 0 : i32
      %dma_wait3A_474 = tpu.memref_slice %arg3[%dma_wait3A_472, %dma_wait3A_473] : memref<1000000x64xf32, #tpu.memory_space<hbm>> -> memref<1000000x64xf32, #tpu.memory_space<hbm>>
      tpu.wait_indirect_dma semaphore(%arg11 : memref<!tpu.dma_semaphore, #tpu.memory_space<semaphore_mem>>) src(%dma_wait3A_474 : memref<1000000x64xf32, #tpu.memory_space<hbm>>) dst(%dma_wait3A_468 : memref<40x64xf32, #tpu.memory_space<vmem>>)
      %dma_wait3A_475 = arith.constant 320 : i32
      %dma_wait3A_476 = arith.constant 0 : i32
      %dma_wait3A_477 = tpu.memref_slice %arg9[%dma_wait3A_475, %dma_wait3A_476] : memref<400x64xf32, #tpu.memory_space<vmem>> -> memref<40x64xf32, #tpu.memory_space<vmem>>
      %dma_wait3A_478 = arith.constant 120 : i32
      %dma_wait3A_479 = tpu.memref_slice %arg6[%add3A_248, %dma_wait3A_478] : memref<128x200xi32, #tpu.memory_space<vmem>> -> memref<1x40xi32, #tpu.memory_space<vmem>>
      %dma_wait3A_480 = tpu.memref_squeeze %dma_wait3A_479 : memref<1x40xi32, #tpu.memory_space<vmem>> -> memref<40xi32, #tpu.memory_space<vmem>>
      %dma_wait3A_481 = arith.constant 0 : i32
      %dma_wait3A_482 = arith.constant 0 : i32
      %dma_wait3A_483 = tpu.memref_slice %arg3[%dma_wait3A_481, %dma_wait3A_482] : memref<1000000x64xf32, #tpu.memory_space<hbm>> -> memref<1000000x64xf32, #tpu.memory_space<hbm>>
      tpu.wait_indirect_dma semaphore(%arg11 : memref<!tpu.dma_semaphore, #tpu.memory_space<semaphore_mem>>) src(%dma_wait3A_483 : memref<1000000x64xf32, #tpu.memory_space<hbm>>) dst(%dma_wait3A_477 : memref<40x64xf32, #tpu.memory_space<vmem>>)
      %dma_wait3A_484 = arith.constant 360 : i32
      %dma_wait3A_485 = arith.constant 0 : i32
      %dma_wait3A_486 = tpu.memref_slice %arg9[%dma_wait3A_484, %dma_wait3A_485] : memref<400x64xf32, #tpu.memory_space<vmem>> -> memref<40x64xf32, #tpu.memory_space<vmem>>
      %dma_wait3A_487 = arith.constant 160 : i32
      %dma_wait3A_488 = tpu.memref_slice %arg6[%add3A_261, %dma_wait3A_487] : memref<128x200xi32, #tpu.memory_space<vmem>> -> memref<1x40xi32, #tpu.memory_space<vmem>>
      %dma_wait3A_489 = tpu.memref_squeeze %dma_wait3A_488 : memref<1x40xi32, #tpu.memory_space<vmem>> -> memref<40xi32, #tpu.memory_space<vmem>>
      %dma_wait3A_490 = arith.constant 0 : i32
      %dma_wait3A_491 = arith.constant 0 : i32
      %dma_wait3A_492 = tpu.memref_slice %arg3[%dma_wait3A_490, %dma_wait3A_491] : memref<1000000x64xf32, #tpu.memory_space<hbm>> -> memref<1000000x64xf32, #tpu.memory_space<hbm>>
      tpu.wait_indirect_dma semaphore(%arg11 : memref<!tpu.dma_semaphore, #tpu.memory_space<semaphore_mem>>) src(%dma_wait3A_492 : memref<1000000x64xf32, #tpu.memory_space<hbm>>) dst(%dma_wait3A_486 : memref<40x64xf32, #tpu.memory_space<vmem>>)
      %parallel_loop3A_493 = arith.constant 0 : i32
      %parallel_loop3A_494 = arith.constant 200 : i32
      %parallel_loop3A_495 = arith.constant 1 : i32
      scf.for %parallel_loop3A_593 = %parallel_loop3A_493 to %parallel_loop3A_494 step %parallel_loop3A_495  : i32 {
        %parallel_loop3A_594 = arith.constant 0 : i32
        %parallel_loop3A_595 = arith.addi %parallel_loop3A_594, %parallel_loop3A_593 : i32
        %parallel_loop3A_596 = arith.index_cast %parallel_loop3A_595 : i32 to index
        %parallel_loop3A_597 = arith.constant 0 : index
        %parallel_loop3A_598 = tpu.vector_load %arg9[%parallel_loop3A_596, %parallel_loop3A_597] {strides = array<i32>} : memref<400x64xf32, #tpu.memory_space<vmem>>, vector<16xf32>,
        %parallel_loop3A_599 = arith.index_cast %parallel_loop3A_593 : i32 to index
        %parallel_loop3A_600 = arith.constant 0 : index
        %parallel_loop3A_601 = tpu.vector_load %arg7[%parallel_loop3A_599, %parallel_loop3A_600] {strides = array<i32>} : memref<200x64xf32, #tpu.memory_space<vmem>>, vector<16xf32>,
        %parallel_loop3A_602 = arith.addf %parallel_loop3A_598, %parallel_loop3A_601 : vector<16xf32>
        %parallel_loop3A_603 = arith.constant 0 : i32
        %parallel_loop3A_604 = arith.addi %parallel_loop3A_603, %parallel_loop3A_593 : i32
        %parallel_loop3A_605 = arith.index_cast %parallel_loop3A_604 : i32 to index
        %parallel_loop3A_606 = arith.constant 0 : index
        %parallel_loop3A_607 = tpu.vector_load %arg9[%parallel_loop3A_605, %parallel_loop3A_606] {strides = array<i32>} : memref<400x64xf32, #tpu.memory_space<vmem>>, vector<16xf32>,
        tpu.vector_store %arg9[%parallel_loop3A_605, %parallel_loop3A_606], %parallel_loop3A_602 {strides = array<i32>} : memref<400x64xf32, #tpu.memory_space<vmem>>, vector<16xf32>,
        %parallel_loop3A_608 = arith.constant 0 : i32
        %parallel_loop3A_609 = arith.addi %parallel_loop3A_608, %parallel_loop3A_593 : i32
        %parallel_loop3A_610 = arith.index_cast %parallel_loop3A_609 : i32 to index
        %parallel_loop3A_611 = arith.constant 16 : index
        %parallel_loop3A_612 = tpu.vector_load %arg9[%parallel_loop3A_610, %parallel_loop3A_611] {strides = array<i32>} : memref<400x64xf32, #tpu.memory_space<vmem>>, vector<16xf32>,
        %parallel_loop3A_613 = arith.index_cast %parallel_loop3A_593 : i32 to index
        %parallel_loop3A_614 = arith.constant 16 : index
        %parallel_loop3A_615 = tpu.vector_load %arg7[%parallel_loop3A_613, %parallel_loop3A_614] {strides = array<i32>} : memref<200x64xf32, #tpu.memory_space<vmem>>, vector<16xf32>,
        %parallel_loop3A_616 = arith.addf %parallel_loop3A_612, %parallel_loop3A_615 : vector<16xf32>
        %parallel_loop3A_617 = arith.constant 0 : i32
        %parallel_loop3A_618 = arith.addi %parallel_loop3A_617, %parallel_loop3A_593 : i32
        %parallel_loop3A_619 = arith.index_cast %parallel_loop3A_618 : i32 to index
        %parallel_loop3A_620 = arith.constant 16 : index
        %parallel_loop3A_621 = tpu.vector_load %arg9[%parallel_loop3A_619, %parallel_loop3A_620] {strides = array<i32>} : memref<400x64xf32, #tpu.memory_space<vmem>>, vector<16xf32>,
        tpu.vector_store %arg9[%parallel_loop3A_619, %parallel_loop3A_620], %parallel_loop3A_616 {strides = array<i32>} : memref<400x64xf32, #tpu.memory_space<vmem>>, vector<16xf32>,
        %parallel_loop3A_622 = arith.constant 0 : i32
        %parallel_loop3A_623 = arith.addi %parallel_loop3A_622, %parallel_loop3A_593 : i32
        %parallel_loop3A_624 = arith.index_cast %parallel_loop3A_623 : i32 to index
        %parallel_loop3A_625 = arith.constant 32 : index
        %parallel_loop3A_626 = tpu.vector_load %arg9[%parallel_loop3A_624, %parallel_loop3A_625] {strides = array<i32>} : memref<400x64xf32, #tpu.memory_space<vmem>>, vector<16xf32>,
        %parallel_loop3A_627 = arith.index_cast %parallel_loop3A_593 : i32 to index
        %parallel_loop3A_628 = arith.constant 32 : index
        %parallel_loop3A_629 = tpu.vector_load %arg7[%parallel_loop3A_627, %parallel_loop3A_628] {strides = array<i32>} : memref<200x64xf32, #tpu.memory_space<vmem>>, vector<16xf32>,
        %parallel_loop3A_630 = arith.addf %parallel_loop3A_626, %parallel_loop3A_629 : vector<16xf32>
        %parallel_loop3A_631 = arith.constant 0 : i32
        %parallel_loop3A_632 = arith.addi %parallel_loop3A_631, %parallel_loop3A_593 : i32
        %parallel_loop3A_633 = arith.index_cast %parallel_loop3A_632 : i32 to index
        %parallel_loop3A_634 = arith.constant 32 : index
        %parallel_loop3A_635 = tpu.vector_load %arg9[%parallel_loop3A_633, %parallel_loop3A_634] {strides = array<i32>} : memref<400x64xf32, #tpu.memory_space<vmem>>, vector<16xf32>,
        tpu.vector_store %arg9[%parallel_loop3A_633, %parallel_loop3A_634], %parallel_loop3A_630 {strides = array<i32>} : memref<400x64xf32, #tpu.memory_space<vmem>>, vector<16xf32>,
        %parallel_loop3A_636 = arith.constant 0 : i32
        %parallel_loop3A_637 = arith.addi %parallel_loop3A_636, %parallel_loop3A_593 : i32
        %parallel_loop3A_638 = arith.index_cast %parallel_loop3A_637 : i32 to index
        %parallel_loop3A_639 = arith.constant 48 : index
        %parallel_loop3A_640 = tpu.vector_load %arg9[%parallel_loop3A_638, %parallel_loop3A_639] {strides = array<i32>} : memref<400x64xf32, #tpu.memory_space<vmem>>, vector<16xf32>,
        %parallel_loop3A_641 = arith.index_cast %parallel_loop3A_593 : i32 to index
        %parallel_loop3A_642 = arith.constant 48 : index
        %parallel_loop3A_643 = tpu.vector_load %arg7[%parallel_loop3A_641, %parallel_loop3A_642] {strides = array<i32>} : memref<200x64xf32, #tpu.memory_space<vmem>>, vector<16xf32>,
        %parallel_loop3A_644 = arith.addf %parallel_loop3A_640, %parallel_loop3A_643 : vector<16xf32>
        %parallel_loop3A_645 = arith.constant 0 : i32
        %parallel_loop3A_646 = arith.addi %parallel_loop3A_645, %parallel_loop3A_593 : i32
        %parallel_loop3A_647 = arith.index_cast %parallel_loop3A_646 : i32 to index
        %parallel_loop3A_648 = arith.constant 48 : index
        %parallel_loop3A_649 = tpu.vector_load %arg9[%parallel_loop3A_647, %parallel_loop3A_648] {strides = array<i32>} : memref<400x64xf32, #tpu.memory_space<vmem>>, vector<16xf32>,
        tpu.vector_store %arg9[%parallel_loop3A_647, %parallel_loop3A_648], %parallel_loop3A_644 {strides = array<i32>} : memref<400x64xf32, #tpu.memory_space<vmem>>, vector<16xf32>,
      } {sc.loop_unroll_factor = 8 : i64, sc.parallel_access}
      %parallel_loop3A_496 = arith.constant 0 : i32
      %parallel_loop3A_497 = arith.constant 200 : i32
      %parallel_loop3A_498 = arith.constant 1 : i32
      scf.for %parallel_loop3A_593 = %parallel_loop3A_496 to %parallel_loop3A_497 step %parallel_loop3A_498  : i32 {
        %parallel_loop3A_594 = arith.constant 200 : i32
        %parallel_loop3A_595 = arith.addi %parallel_loop3A_594, %parallel_loop3A_593 : i32
        %parallel_loop3A_596 = arith.index_cast %parallel_loop3A_595 : i32 to index
        %parallel_loop3A_597 = arith.constant 0 : index
        %parallel_loop3A_598 = tpu.vector_load %arg9[%parallel_loop3A_596, %parallel_loop3A_597] {strides = array<i32>} : memref<400x64xf32, #tpu.memory_space<vmem>>, vector<16xf32>,
        %parallel_loop3A_599 = arith.index_cast %parallel_loop3A_593 : i32 to index
        %parallel_loop3A_600 = arith.constant 0 : index
        %parallel_loop3A_601 = tpu.vector_load %arg7[%parallel_loop3A_599, %parallel_loop3A_600] {strides = array<i32>} : memref<200x64xf32, #tpu.memory_space<vmem>>, vector<16xf32>,
        %parallel_loop3A_602 = arith.addf %parallel_loop3A_598, %parallel_loop3A_601 : vector<16xf32>
        %parallel_loop3A_603 = arith.constant 200 : i32
        %parallel_loop3A_604 = arith.addi %parallel_loop3A_603, %parallel_loop3A_593 : i32
        %parallel_loop3A_605 = arith.index_cast %parallel_loop3A_604 : i32 to index
        %parallel_loop3A_606 = arith.constant 0 : index
        %parallel_loop3A_607 = tpu.vector_load %arg9[%parallel_loop3A_605, %parallel_loop3A_606] {strides = array<i32>} : memref<400x64xf32, #tpu.memory_space<vmem>>, vector<16xf32>,
        tpu.vector_store %arg9[%parallel_loop3A_605, %parallel_loop3A_606], %parallel_loop3A_602 {strides = array<i32>} : memref<400x64xf32, #tpu.memory_space<vmem>>, vector<16xf32>,
        %parallel_loop3A_608 = arith.constant 200 : i32
        %parallel_loop3A_609 = arith.addi %parallel_loop3A_608, %parallel_loop3A_593 : i32
        %parallel_loop3A_610 = arith.index_cast %parallel_loop3A_609 : i32 to index
        %parallel_loop3A_611 = arith.constant 16 : index
        %parallel_loop3A_612 = tpu.vector_load %arg9[%parallel_loop3A_610, %parallel_loop3A_611] {strides = array<i32>} : memref<400x64xf32, #tpu.memory_space<vmem>>, vector<16xf32>,
        %parallel_loop3A_613 = arith.index_cast %parallel_loop3A_593 : i32 to index
        %parallel_loop3A_614 = arith.constant 16 : index
        %parallel_loop3A_615 = tpu.vector_load %arg7[%parallel_loop3A_613, %parallel_loop3A_614] {strides = array<i32>} : memref<200x64xf32, #tpu.memory_space<vmem>>, vector<16xf32>,
        %parallel_loop3A_616 = arith.addf %parallel_loop3A_612, %parallel_loop3A_615 : vector<16xf32>
        %parallel_loop3A_617 = arith.constant 200 : i32
        %parallel_loop3A_618 = arith.addi %parallel_loop3A_617, %parallel_loop3A_593 : i32
        %parallel_loop3A_619 = arith.index_cast %parallel_loop3A_618 : i32 to index
        %parallel_loop3A_620 = arith.constant 16 : index
        %parallel_loop3A_621 = tpu.vector_load %arg9[%parallel_loop3A_619, %parallel_loop3A_620] {strides = array<i32>} : memref<400x64xf32, #tpu.memory_space<vmem>>, vector<16xf32>,
        tpu.vector_store %arg9[%parallel_loop3A_619, %parallel_loop3A_620], %parallel_loop3A_616 {strides = array<i32>} : memref<400x64xf32, #tpu.memory_space<vmem>>, vector<16xf32>,
        %parallel_loop3A_622 = arith.constant 200 : i32
        %parallel_loop3A_623 = arith.addi %parallel_loop3A_622, %parallel_loop3A_593 : i32
        %parallel_loop3A_624 = arith.index_cast %parallel_loop3A_623 : i32 to index
        %parallel_loop3A_625 = arith.constant 32 : index
        %parallel_loop3A_626 = tpu.vector_load %arg9[%parallel_loop3A_624, %parallel_loop3A_625] {strides = array<i32>} : memref<400x64xf32, #tpu.memory_space<vmem>>, vector<16xf32>,
        %parallel_loop3A_627 = arith.index_cast %parallel_loop3A_593 : i32 to index
        %parallel_loop3A_628 = arith.constant 32 : index
        %parallel_loop3A_629 = tpu.vector_load %arg7[%parallel_loop3A_627, %parallel_loop3A_628] {strides = array<i32>} : memref<200x64xf32, #tpu.memory_space<vmem>>, vector<16xf32>,
        %parallel_loop3A_630 = arith.addf %parallel_loop3A_626, %parallel_loop3A_629 : vector<16xf32>
        %parallel_loop3A_631 = arith.constant 200 : i32
        %parallel_loop3A_632 = arith.addi %parallel_loop3A_631, %parallel_loop3A_593 : i32
        %parallel_loop3A_633 = arith.index_cast %parallel_loop3A_632 : i32 to index
        %parallel_loop3A_634 = arith.constant 32 : index
        %parallel_loop3A_635 = tpu.vector_load %arg9[%parallel_loop3A_633, %parallel_loop3A_634] {strides = array<i32>} : memref<400x64xf32, #tpu.memory_space<vmem>>, vector<16xf32>,
        tpu.vector_store %arg9[%parallel_loop3A_633, %parallel_loop3A_634], %parallel_loop3A_630 {strides = array<i32>} : memref<400x64xf32, #tpu.memory_space<vmem>>, vector<16xf32>,
        %parallel_loop3A_636 = arith.constant 200 : i32
        %parallel_loop3A_637 = arith.addi %parallel_loop3A_636, %parallel_loop3A_593 : i32
        %parallel_loop3A_638 = arith.index_cast %parallel_loop3A_637 : i32 to index
        %parallel_loop3A_639 = arith.constant 48 : index
        %parallel_loop3A_640 = tpu.vector_load %arg9[%parallel_loop3A_638, %parallel_loop3A_639] {strides = array<i32>} : memref<400x64xf32, #tpu.memory_space<vmem>>, vector<16xf32>,
        %parallel_loop3A_641 = arith.index_cast %parallel_loop3A_593 : i32 to index
        %parallel_loop3A_642 = arith.constant 48 : index
        %parallel_loop3A_643 = tpu.vector_load %arg7[%parallel_loop3A_641, %parallel_loop3A_642] {strides = array<i32>} : memref<200x64xf32, #tpu.memory_space<vmem>>, vector<16xf32>,
        %parallel_loop3A_644 = arith.addf %parallel_loop3A_640, %parallel_loop3A_643 : vector<16xf32>
        %parallel_loop3A_645 = arith.constant 200 : i32
        %parallel_loop3A_646 = arith.addi %parallel_loop3A_645, %parallel_loop3A_593 : i32
        %parallel_loop3A_647 = arith.index_cast %parallel_loop3A_646 : i32 to index
        %parallel_loop3A_648 = arith.constant 48 : index
        %parallel_loop3A_649 = tpu.vector_load %arg9[%parallel_loop3A_647, %parallel_loop3A_648] {strides = array<i32>} : memref<400x64xf32, #tpu.memory_space<vmem>>, vector<16xf32>,
        tpu.vector_store %arg9[%parallel_loop3A_647, %parallel_loop3A_648], %parallel_loop3A_644 {strides = array<i32>} : memref<400x64xf32, #tpu.memory_space<vmem>>, vector<16xf32>,
      } {sc.loop_unroll_factor = 8 : i64, sc.parallel_access}
      %mul3A_499 = arith.constant 2 : i32
      %mul3A_500 = arith.muli %add3A_11, %mul3A_499 : i32
      %add3A_501 = arith.addi %mul3A_2, %mul3A_500 : i32
      %add3A_502 = arith.constant 0 : i32
      %add3A_503 = arith.addi %add3A_501, %add3A_502 : i32
      %dma_start3A_504 = arith.constant 0 : i32
      %dma_start3A_505 = arith.constant 0 : i32
      %dma_start3A_506 = tpu.memref_slice %arg9[%dma_start3A_504, %dma_start3A_505] : memref<400x64xf32, #tpu.memory_space<vmem>> -> memref<200x64xf32, #tpu.memory_space<vmem>>
      %dma_start3A_507 = arith.constant 0 : i32
      %dma_start3A_508 = arith.constant 0 : i32
      %dma_start3A_509 = tpu.memref_slice %arg5[%add3A_503, %dma_start3A_507, %dma_start3A_508] : memref<4096x200x64xf32, #tpu.memory_space<hbm>> -> memref<1x200x64xf32, #tpu.memory_space<hbm>>
      %dma_start3A_510 = tpu.memref_squeeze %dma_start3A_509 : memref<1x200x64xf32, #tpu.memory_space<hbm>> -> memref<200x64xf32, #tpu.memory_space<hbm>>
      %dma_start3A_511 = arith.constant 0 : i32
      %dma_start3A_512 = arith.constant 0 : i32
      %dma_start3A_513 = tpu.memref_slice %arg5[%add3A_503, %dma_start3A_511, %dma_start3A_512] : memref<4096x200x64xf32, #tpu.memory_space<hbm>> -> memref<1x200x64xf32, #tpu.memory_space<hbm>>
      %dma_start3A_514 = tpu.memref_squeeze %dma_start3A_513 : memref<1x200x64xf32, #tpu.memory_space<hbm>> -> memref<200x64xf32, #tpu.memory_space<hbm>>
      %dma_start3A_515 = arith.constant 0 : i32
      %dma_start3A_516 = arith.constant 0 : i32
      %dma_start3A_517 = tpu.memref_slice %arg9[%dma_start3A_515, %dma_start3A_516] : memref<400x64xf32, #tpu.memory_space<vmem>> -> memref<200x64xf32, #tpu.memory_space<vmem>>
      tpu.enqueue_dma source(%dma_start3A_517 : memref<200x64xf32, #tpu.memory_space<vmem>>) target(%dma_start3A_514 : memref<200x64xf32, #tpu.memory_space<hbm>>) target_semaphore(%arg13 : memref<!tpu.dma_semaphore, #tpu.memory_space<semaphore_mem>>)
      %mul3A_518 = arith.constant 2 : i32
      %mul3A_519 = arith.muli %add3A_11, %mul3A_518 : i32
      %add3A_520 = arith.addi %mul3A_2, %mul3A_519 : i32
      %add3A_521 = arith.constant 1 : i32
      %add3A_522 = arith.addi %add3A_520, %add3A_521 : i32
      %dma_start3A_523 = arith.constant 200 : i32
      %dma_start3A_524 = arith.constant 0 : i32
      %dma_start3A_525 = tpu.memref_slice %arg9[%dma_start3A_523, %dma_start3A_524] : memref<400x64xf32, #tpu.memory_space<vmem>> -> memref<200x64xf32, #tpu.memory_space<vmem>>
      %dma_start3A_526 = arith.constant 0 : i32
      %dma_start3A_527 = arith.constant 0 : i32
      %dma_start3A_528 = tpu.memref_slice %arg5[%add3A_522, %dma_start3A_526, %dma_start3A_527] : memref<4096x200x64xf32, #tpu.memory_space<hbm>> -> memref<1x200x64xf32, #tpu.memory_space<hbm>>
      %dma_start3A_529 = tpu.memref_squeeze %dma_start3A_528 : memref<1x200x64xf32, #tpu.memory_space<hbm>> -> memref<200x64xf32, #tpu.memory_space<hbm>>
      %dma_start3A_530 = arith.constant 0 : i32
      %dma_start3A_531 = arith.constant 0 : i32
      %dma_start3A_532 = tpu.memref_slice %arg5[%add3A_522, %dma_start3A_530, %dma_start3A_531] : memref<4096x200x64xf32, #tpu.memory_space<hbm>> -> memref<1x200x64xf32, #tpu.memory_space<hbm>>
      %dma_start3A_533 = tpu.memref_squeeze %dma_start3A_532 : memref<1x200x64xf32, #tpu.memory_space<hbm>> -> memref<200x64xf32, #tpu.memory_space<hbm>>
      %dma_start3A_534 = arith.constant 200 : i32
      %dma_start3A_535 = arith.constant 0 : i32
      %dma_start3A_536 = tpu.memref_slice %arg9[%dma_start3A_534, %dma_start3A_535] : memref<400x64xf32, #tpu.memory_space<vmem>> -> memref<200x64xf32, #tpu.memory_space<vmem>>
      tpu.enqueue_dma source(%dma_start3A_536 : memref<200x64xf32, #tpu.memory_space<vmem>>) target(%dma_start3A_533 : memref<200x64xf32, #tpu.memory_space<hbm>>) target_semaphore(%arg13 : memref<!tpu.dma_semaphore, #tpu.memory_space<semaphore_mem>>)
      %dma_wait3A_537 = arith.constant 0 : i32
      %dma_wait3A_538 = arith.constant 0 : i32
      %dma_wait3A_539 = tpu.memref_slice %arg8[%dma_wait3A_537, %dma_wait3A_538] : memref<400x64xf32, #tpu.memory_space<vmem>> -> memref<200x64xf32, #tpu.memory_space<vmem>>
      %dma_wait3A_540 = arith.constant 0 : i32
      %dma_wait3A_541 = arith.constant 0 : i32
      %dma_wait3A_542 = tpu.memref_slice %arg5[%add3A_369, %dma_wait3A_540, %dma_wait3A_541] : memref<4096x200x64xf32, #tpu.memory_space<hbm>> -> memref<1x200x64xf32, #tpu.memory_space<hbm>>
      %dma_wait3A_543 = tpu.memref_squeeze %dma_wait3A_542 : memref<1x200x64xf32, #tpu.memory_space<hbm>> -> memref<200x64xf32, #tpu.memory_space<hbm>>
      %dma_wait3A_544 = arith.constant 0 : i32
      %dma_wait3A_545 = arith.constant 0 : i32
      %dma_wait3A_546 = tpu.memref_slice %arg5[%add3A_369, %dma_wait3A_544, %dma_wait3A_545] : memref<4096x200x64xf32, #tpu.memory_space<hbm>> -> memref<1x200x64xf32, #tpu.memory_space<hbm>>
      %dma_wait3A_547 = tpu.memref_squeeze %dma_wait3A_546 : memref<1x200x64xf32, #tpu.memory_space<hbm>> -> memref<200x64xf32, #tpu.memory_space<hbm>>
      %dma_wait3A_548 = arith.constant 0 : i32
      %dma_wait3A_549 = arith.constant 0 : i32
      %dma_wait3A_550 = tpu.memref_slice %arg8[%dma_wait3A_548, %dma_wait3A_549] : memref<400x64xf32, #tpu.memory_space<vmem>> -> memref<200x64xf32, #tpu.memory_space<vmem>>
      tpu.wait_dma2 semaphore(%arg12 : memref<!tpu.dma_semaphore, #tpu.memory_space<semaphore_mem>>) src(%dma_wait3A_550 : memref<200x64xf32, #tpu.memory_space<vmem>>) dst(%dma_wait3A_547 : memref<200x64xf32, #tpu.memory_space<hbm>>)
      %dma_wait3A_551 = arith.constant 200 : i32
      %dma_wait3A_552 = arith.constant 0 : i32
      %dma_wait3A_553 = tpu.memref_slice %arg8[%dma_wait3A_551, %dma_wait3A_552] : memref<400x64xf32, #tpu.memory_space<vmem>> -> memref<200x64xf32, #tpu.memory_space<vmem>>
      %dma_wait3A_554 = arith.constant 0 : i32
      %dma_wait3A_555 = arith.constant 0 : i32
      %dma_wait3A_556 = tpu.memref_slice %arg5[%add3A_388, %dma_wait3A_554, %dma_wait3A_555] : memref<4096x200x64xf32, #tpu.memory_space<hbm>> -> memref<1x200x64xf32, #tpu.memory_space<hbm>>
      %dma_wait3A_557 = tpu.memref_squeeze %dma_wait3A_556 : memref<1x200x64xf32, #tpu.memory_space<hbm>> -> memref<200x64xf32, #tpu.memory_space<hbm>>
      %dma_wait3A_558 = arith.constant 0 : i32
      %dma_wait3A_559 = arith.constant 0 : i32
      %dma_wait3A_560 = tpu.memref_slice %arg5[%add3A_388, %dma_wait3A_558, %dma_wait3A_559] : memref<4096x200x64xf32, #tpu.memory_space<hbm>> -> memref<1x200x64xf32, #tpu.memory_space<hbm>>
      %dma_wait3A_561 = tpu.memref_squeeze %dma_wait3A_560 : memref<1x200x64xf32, #tpu.memory_space<hbm>> -> memref<200x64xf32, #tpu.memory_space<hbm>>
      %dma_wait3A_562 = arith.constant 200 : i32
      %dma_wait3A_563 = arith.constant 0 : i32
      %dma_wait3A_564 = tpu.memref_slice %arg8[%dma_wait3A_562, %dma_wait3A_563] : memref<400x64xf32, #tpu.memory_space<vmem>> -> memref<200x64xf32, #tpu.memory_space<vmem>>
      tpu.wait_dma2 semaphore(%arg12 : memref<!tpu.dma_semaphore, #tpu.memory_space<semaphore_mem>>) src(%dma_wait3A_564 : memref<200x64xf32, #tpu.memory_space<vmem>>) dst(%dma_wait3A_561 : memref<200x64xf32, #tpu.memory_space<hbm>>)
      %dma_wait3A_565 = arith.constant 0 : i32
      %dma_wait3A_566 = arith.constant 0 : i32
      %dma_wait3A_567 = tpu.memref_slice %arg9[%dma_wait3A_565, %dma_wait3A_566] : memref<400x64xf32, #tpu.memory_space<vmem>> -> memref<200x64xf32, #tpu.memory_space<vmem>>
      %dma_wait3A_568 = arith.constant 0 : i32
      %dma_wait3A_569 = arith.constant 0 : i32
      %dma_wait3A_570 = tpu.memref_slice %arg5[%add3A_503, %dma_wait3A_568, %dma_wait3A_569] : memref<4096x200x64xf32, #tpu.memory_space<hbm>> -> memref<1x200x64xf32, #tpu.memory_space<hbm>>
      %dma_wait3A_571 = tpu.memref_squeeze %dma_wait3A_570 : memref<1x200x64xf32, #tpu.memory_space<hbm>> -> memref<200x64xf32, #tpu.memory_space<hbm>>
      %dma_wait3A_572 = arith.constant 0 : i32
      %dma_wait3A_573 = arith.constant 0 : i32
      %dma_wait3A_574 = tpu.memref_slice %arg5[%add3A_503, %dma_wait3A_572, %dma_wait3A_573] : memref<4096x200x64xf32, #tpu.memory_space<hbm>> -> memref<1x200x64xf32, #tpu.memory_space<hbm>>
      %dma_wait3A_575 = tpu.memref_squeeze %dma_wait3A_574 : memref<1x200x64xf32, #tpu.memory_space<hbm>> -> memref<200x64xf32, #tpu.memory_space<hbm>>
      %dma_wait3A_576 = arith.constant 0 : i32
      %dma_wait3A_577 = arith.constant 0 : i32
      %dma_wait3A_578 = tpu.memref_slice %arg9[%dma_wait3A_576, %dma_wait3A_577] : memref<400x64xf32, #tpu.memory_space<vmem>> -> memref<200x64xf32, #tpu.memory_space<vmem>>
      tpu.wait_dma2 semaphore(%arg13 : memref<!tpu.dma_semaphore, #tpu.memory_space<semaphore_mem>>) src(%dma_wait3A_578 : memref<200x64xf32, #tpu.memory_space<vmem>>) dst(%dma_wait3A_575 : memref<200x64xf32, #tpu.memory_space<hbm>>)
      %dma_wait3A_579 = arith.constant 200 : i32
      %dma_wait3A_580 = arith.constant 0 : i32
      %dma_wait3A_581 = tpu.memref_slice %arg9[%dma_wait3A_579, %dma_wait3A_580] : memref<400x64xf32, #tpu.memory_space<vmem>> -> memref<200x64xf32, #tpu.memory_space<vmem>>
      %dma_wait3A_582 = arith.constant 0 : i32
      %dma_wait3A_583 = arith.constant 0 : i32
      %dma_wait3A_584 = tpu.memref_slice %arg5[%add3A_522, %dma_wait3A_582, %dma_wait3A_583] : memref<4096x200x64xf32, #tpu.memory_space<hbm>> -> memref<1x200x64xf32, #tpu.memory_space<hbm>>
      %dma_wait3A_585 = tpu.memref_squeeze %dma_wait3A_584 : memref<1x200x64xf32, #tpu.memory_space<hbm>> -> memref<200x64xf32, #tpu.memory_space<hbm>>
      %dma_wait3A_586 = arith.constant 0 : i32
      %dma_wait3A_587 = arith.constant 0 : i32
      %dma_wait3A_588 = tpu.memref_slice %arg5[%add3A_522, %dma_wait3A_586, %dma_wait3A_587] : memref<4096x200x64xf32, #tpu.memory_space<hbm>> -> memref<1x200x64xf32, #tpu.memory_space<hbm>>
      %dma_wait3A_589 = tpu.memref_squeeze %dma_wait3A_588 : memref<1x200x64xf32, #tpu.memory_space<hbm>> -> memref<200x64xf32, #tpu.memory_space<hbm>>
      %dma_wait3A_590 = arith.constant 200 : i32
      %dma_wait3A_591 = arith.constant 0 : i32
      %dma_wait3A_592 = tpu.memref_slice %arg9[%dma_wait3A_590, %dma_wait3A_591] : memref<400x64xf32, #tpu.memory_space<vmem>> -> memref<200x64xf32, #tpu.memory_space<vmem>>
      tpu.wait_dma2 semaphore(%arg13 : memref<!tpu.dma_semaphore, #tpu.memory_space<semaphore_mem>>) src(%dma_wait3A_592 : memref<200x64xf32, #tpu.memory_space<vmem>>) dst(%dma_wait3A_589 : memref<200x64xf32, #tpu.memory_space<hbm>>)
    }
    %scan3A_6 = arith.constant 32 : i32
    return
  }
}

module attributes {stable_mosaic.version = 14 : i64} {
  func.func @body(%arg0: i32, %arg1: memref<64x16384xf32, #tpu.memory_space<vmem>>, %arg2: memref<8192x128xf32, #tpu.memory_space<vmem>>) attributes {dimension_semantics = [#tpu.dimension_semantics<arbitrary>], iteration_bounds = array<i64: 62>, scalar_prefetch = 0 : i64, scratch_operands = 0 : i64, tpu.core_type = #tpu.core_type<tc>, window_params = [{transform_indices = @transform_0, window_bounds = array<i64: 64, 16384>}, {transform_indices = @transform_1, window_bounds = array<i64: 8192, 128>}]} {
    %get3A = arith.constant 0 : index
    %get3A_0 = arith.constant 0 : index
    %get3A_1 = vector.load %arg1[%get3A, %get3A_0] : memref<64x16384xf32, #tpu.memory_space<vmem>>, vector<64x16384xf32>
    %transpose3A = tpu.transpose %get3A_1, [1, 0] : vector<64x16384xf32> -> vector<16384x64xf32>
    %reshape3A = vector.shape_cast %transpose3A : vector<16384x64xf32> to vector<8192x2x64xf32>
    %slice3A = vector.extract_strided_slice %reshape3A {offsets = [0, 0, 0], sizes = [8192, 1, 64], strides = [1, 1, 1]} : vector<8192x2x64xf32> to vector<8192x1x64xf32>
    %squeeze3A = vector.shape_cast %slice3A : vector<8192x1x64xf32> to vector<8192x64xf32>
    %slice3A_2 = vector.extract_strided_slice %reshape3A {offsets = [0, 1, 0], sizes = [8192, 1, 64], strides = [1, 1, 1]} : vector<8192x2x64xf32> to vector<8192x1x64xf32>
    %squeeze3A_3 = vector.shape_cast %slice3A_2 : vector<8192x1x64xf32> to vector<8192x64xf32>
    %concatenate3A = tpu.concatenate %squeeze3A, %squeeze3A_3 in 1 : vector<8192x64xf32>, vector<8192x64xf32> -> vector<8192x128xf32>
    %swap3A = arith.constant 0 : index
    %swap3A_4 = arith.constant 0 : index
    %swap3A_5 = vector.load %arg2[%swap3A, %swap3A_4] : memref<8192x128xf32, #tpu.memory_space<vmem>>, vector<8192x128xf32>
    tpu.vector_store %arg2[%swap3A, %swap3A_4], %concatenate3A {strides = array<i32>} : memref<8192x128xf32, #tpu.memory_space<vmem>>, vector<8192x128xf32>,
    return
  }
  func.func @transform_0(%arg0: i32) -> (i32, i32) {
    %c0_i32 = arith.constant 0 : i32
    %c0_i32_0 = arith.constant 0 : i32
    return %c0_i32, %arg0 : i32, i32
  }
  func.func @transform_1(%arg0: i32) -> (i32, i32) {
    %c0_i32 = arith.constant 0 : i32
    %c0_i32_0 = arith.constant 0 : i32
    return %arg0, %c0_i32 : i32, i32
  }
}

module attributes {stable_mosaic.version = 14 : i64} {
  func.func @body(%arg0: i32, %arg1: memref<12800x128xf32, #tpu.memory_space<vmem>>, %arg2: memref<200x8x1x8x128xf32, #tpu.memory_space<vmem>>) attributes {dimension_semantics = [#tpu.dimension_semantics<arbitrary>], iteration_bounds = array<i64: 32>, scalar_prefetch = 0 : i64, scratch_operands = 0 : i64, tpu.core_type = #tpu.core_type<tc>, window_params = [{transform_indices = @transform_0, window_bounds = array<i64: 12800, 128>}, {transform_indices = @transform_1, window_bounds = array<i64: 200, 8, 1, 8, 128>}]} {
    %get3A = arith.constant 0 : index
    %get3A_0 = arith.constant 0 : index
    %get3A_1 = vector.load %arg1[%get3A, %get3A_0] : memref<12800x128xf32, #tpu.memory_space<vmem>>, vector<12800x128xf32>
    %reshape3A = vector.shape_cast %get3A_1 : vector<12800x128xf32> to vector<128x100x128xf32>
    %transpose3A = tpu.transpose %reshape3A, [1, 2, 0] : vector<128x100x128xf32> -> vector<100x128x128xf32>
    %reshape3A_2 = vector.shape_cast %transpose3A : vector<100x128x128xf32> to vector<100x2x64x128xf32>
    %reshape3A_3 = vector.shape_cast %reshape3A_2 : vector<100x2x64x128xf32> to vector<200x64x128xf32>
    %reshape3A_4 = vector.shape_cast %reshape3A_3 : vector<200x64x128xf32> to vector<200x8x8x128xf32>
    %reshape3A_5 = vector.shape_cast %reshape3A_4 : vector<200x8x8x128xf32> to vector<200x8x1x8x128xf32>
    %swap3A = arith.constant 0 : index
    %swap3A_6 = arith.constant 0 : index
    %swap3A_7 = arith.constant 0 : index
    %swap3A_8 = arith.constant 0 : index
    %swap3A_9 = arith.constant 0 : index
    %swap3A_10 = vector.load %arg2[%swap3A, %swap3A_6, %swap3A_7, %swap3A_8, %swap3A_9] : memref<200x8x1x8x128xf32, #tpu.memory_space<vmem>>, vector<200x8x1x8x128xf32>
    tpu.vector_store %arg2[%swap3A, %swap3A_6, %swap3A_7, %swap3A_8, %swap3A_9], %reshape3A_5 {strides = array<i32>} : memref<200x8x1x8x128xf32, #tpu.memory_space<vmem>>, vector<200x8x1x8x128xf32>,
    return
  }
  func.func @transform_0(%arg0: i32) -> (i32, i32) {
    %c0_i32 = arith.constant 0 : i32
    %c0_i32_0 = arith.constant 0 : i32
    return %arg0, %c0_i32 : i32, i32
  }
  func.func @transform_1(%arg0: i32) -> (i32, i32, i32, i32, i32) {
    %c0_i32 = arith.constant 0 : i32
    %c0_i32_0 = arith.constant 0 : i32
    %c0_i32_1 = arith.constant 0 : i32
    %c0_i32_2 = arith.constant 0 : i32
    %c0_i32_3 = arith.constant 0 : i32
    return %c0_i32, %c0_i32_0, %arg0, %c0_i32_1, %c0_i32_2 : i32, i32, i32, i32, i32
  }
}

</mosaic_0001>

<sc_bundles>
// kernel: kernel.5.cloned.1.call-start
scs
__scs_entry_jumppad:
0x0: {  	(pc) =	sbr.rel $0x88, $3  }
0x1: {  	(tag) =	ssettag $0x0;
	lr =	simm.s32 $0x1  }
0x2: {  	[smem:$0x3F9E] =	sst lr;
	_ =	strace $0xD0000000  }
0x3: {  	_ = 	snop  }
0x4: {  	_ = 	snop  }
0x5: {  	_ = 	snop  }
0x6: {  	_ = 	snop  }
0x7: {  	_ = 	snop  }
__scs_overlays_trampoline_lowered:
0x8: {  	[smem:$0x3FAD] =	sst s0  }
0x9: {  	[smem:$0x3FAE] =	sst s1  }
0xa: {  	[smem:$0x3FAF] =	sst s2  }
0xb: {  	[smem:$0x3FB0] =	sst s3  }
0xc: {  	[smem:$0x3FB1] =	sst s4  }
0xd: {  	[smem:$0x3FB2] =	sst s5  }
0xe: {  	[smem:$0x3FB3] =	sst s6  }
0xf: {  	[smem:$0x3FB4] =	sst s7  }
0x10: {  	[smem:$0x3FB5] =	sst s8  }
0x11: {  	[smem:$0x3FB6] =	sst s9;
	s0 =	simm.s32 @!p0 $0x0  }
0x12: {  	s1 =	sld [smem:$0x3F9C];
	s0 =	simm.s32 @p0 $0x1  }
0x13: {  	[smem:$0x3FB7] =	sst s0;
	s0 =	simm.s32 @!p1 $0x0  }
0x14: {  	s2 =	sld [smem:$0x3F9B];
	s0 =	simm.s32 @p1 $0x1  }
0x15: {  	[smem:$0x3FB8] =	sst s0;
	s0 =	simm.s32 @!p2 $0x0  }
0x16: {  	s3 =	sld [smem:$0x3FDB];
	s0 =	simm.s32 @p2 $0x1  }
0x17: {  	s4 =	simm.s32 $0x1BF5;
	[smem:$0x3FBA] =	sst s0  }
0x18: {  	s0 =	sld [smem:$0x3F9D];
	_ =	swait.ge [sflag:s4], $0x0  }
0x19: {  	s7 =	sld [smem:$0x3F9E]  }
0x1a: {  	s8 =	sadd.s32 $0xFFFFE003, lr  }
0x1b: {  	s9 =	sadd.s32 $0xFFFFFEF7, lr;
	s5 =	simm.s32 $0xFFFFFFFF;
	p2 =	slt.u32 s8, $0xFFFFF086  }
0x1c: {  	p1 =	slt.u32 s9, $0xF7A;
	s5 =	simm.s32 @!p2 $0x0  }
0x1d: {  	s5 =	simm.s32 @p1 $0x1;
	p0 =	seq.s32 s7, s2  }
0x1e: {  	s7 =	smul.u32 @!p0 $0xF7A, s2;
	p2 =	seq.s32 @!p0 s5, $0x0  }
0x1f: {  	s9 =	smul.u32 $0xF7A, s1;
	s8 =	simm.s32 @!p0 $0x1BF5;
	p2 =	por !p2, p0  }
0x20: {  	[sflag:s8] =	ssyncset.s32 @!p0 $0xFFFFF086;
	s6 =	sadd.s32 @!p0 s3, s7;
	s7 =	simm.s32 @!p0 $0x108  }
0x21: {  	s3 =	sadd.s32 s3, s9;
	s6 =	sadd.s32 @!p0 $0x88, s6;
	s7 =	simm.s32 @p2 $0x1082  }
0x22: {  	[simem:s7], [sflag:s8] =	dma.local @!p0 [hbm:s6], $0xF7A  }
0x23: {  	s9 =	sor.u32 $0xD0000000, s2;
	s6 =	simm.s32 $0x108;
	_ =	swait.ge @!p0 [sflag:s8], $0x0  }
0x24: {  	s3 =	sadd.s32 $0x88, s3;
	s6 =	simm.s32 @!p1 $0x1082;
	[sflag:s4] =	ssyncset.s32 $0xFFFFF086  }
0x25: {  	[simem:s6], [sflag:s4] =	dma.local [hbm:s3], $0xF7A  }
0x26: {  	[smem:$0x3F9E] =	sst s1;
	(tag) =	ssettag s2;
	_ =	strace s9  }
0x27: {  	s1 =	sld [smem:$0x3FAE]  }
0x28: {  	s2 =	sld [smem:$0x3FAF]  }
0x29: {  	s4 =	sld [smem:$0x3FB1]  }
0x2a: {  	p0 =	seq.s32 s5, $0x0;
	s5 =	sld [smem:$0x3FB2]  }
0x2b: {  	s6 =	sld [smem:$0x3FB3]  }
0x2c: {  	s7 =	sld [smem:$0x3FB4]  }
0x2d: {  	s3 =	simm.s32 $0x108;
	s8 =	sld [smem:$0x3FB5]  }
0x2e: {  	s3 =	simm.s32 @!p0 $0x1082;
	s9 =	sld [smem:$0x3FB6]  }
0x2f: {  	lr =	sadd.s32 s0, s3;
	s0 =	sld [smem:$0x3FAD]  }
0x30: {  	s3 =	sld [smem:$0x3FB0]  }
0x31: {  	[smem:$0x3FB9] =	sst s10  }
0x32: {  	s10 =	sld [smem:$0x3FB7];
	_ =	sdelay $0x3  }
0x33: {  	p0 =	seq.s32 s10, $0x1;
	s10 =	sld [smem:$0x3FB9];
	_ =	sdelay $0x3  }
0x34: {  	[smem:$0x3FB9] =	sst s10  }
0x35: {  	s10 =	sld [smem:$0x3FB8];
	_ =	sdelay $0x3  }
0x36: {  	p1 =	seq.s32 s10, $0x1;
	s10 =	sld [smem:$0x3FB9];
	_ =	sdelay $0x3  }
0x37: {  	[smem:$0x3FB9] =	sst s10  }
0x38: {  	s10 =	sld [smem:$0x3FBA]  }
0x39: {  	_ = 	snop;
	(pc) =	sbr.ind lr, $3  }
0x3a: {  	_ = 	snop  }
0x3b: {  	_ = 	snop  }
0x3c: {  	p2 =	seq.s32 s10, $0x1;
	s10 =	sld [smem:$0x3FB9]  }
0x3d: {  	_ =	shalt  }
0x3e: {  	_ =	shalt  }
0x3f: {  	_ =	shalt  }
0x40: {  	_ =	shalt  }
0x41: {  	_ =	shalt  }
0x42: {  	_ =	shalt  }
0x43: {  	_ =	shalt  }
0x44: {  	_ =	shalt  }
0x45: {  	_ =	shalt  }
0x46: {  	_ =	shalt  }
0x47: {  	_ =	shalt  }
0x48: {  	_ =	shalt  }
0x49: {  	_ =	shalt  }
0x4a: {  	_ =	shalt  }
0x4b: {  	_ =	shalt  }
0x4c: {  	_ =	shalt  }
0x4d: {  	_ =	shalt  }
0x4e: {  	_ =	shalt  }
0x4f: {  	_ =	shalt  }
0x50: {  	_ =	shalt  }
0x51: {  	_ =	shalt  }
0x52: {  	_ =	shalt  }
0x53: {  	_ =	shalt  }
0x54: {  	_ =	shalt  }
0x55: {  	_ =	shalt  }
0x56: {  	_ =	shalt  }
0x57: {  	_ =	shalt  }
0x58: {  	_ =	shalt  }
0x59: {  	_ =	shalt  }
0x5a: {  	_ =	shalt  }
0x5b: {  	_ =	shalt  }
0x5c: {  	_ =	shalt  }
0x5d: {  	_ =	shalt  }
0x5e: {  	_ =	shalt  }
0x5f: {  	_ =	shalt  }
0x60: {  	_ =	shalt  }
0x61: {  	_ =	shalt  }
0x62: {  	_ =	shalt  }
0x63: {  	_ =	shalt  }
0x64: {  	_ =	shalt  }
0x65: {  	_ =	shalt  }
0x66: {  	_ =	shalt  }
0x67: {  	_ =	shalt  }
0x68: {  	_ =	shalt  }
0x69: {  	_ =	shalt  }
0x6a: {  	_ =	shalt  }
0x6b: {  	_ =	shalt  }
0x6c: {  	_ =	shalt  }
0x6d: {  	_ =	shalt  }
0x6e: {  	_ =	shalt  }
0x6f: {  	_ =	shalt  }
0x70: {  	_ =	shalt  }
0x71: {  	_ =	shalt  }
0x72: {  	_ =	shalt  }
0x73: {  	_ =	shalt  }
0x74: {  	_ =	shalt  }
0x75: {  	_ =	shalt  }
0x76: {  	_ =	shalt  }
0x77: {  	_ =	shalt  }
0x78: {  	_ =	shalt  }
0x79: {  	_ =	shalt  }
0x7a: {  	_ =	shalt  }
0x7b: {  	_ =	shalt  }
0x7c: {  	_ =	shalt  }
0x7d: {  	_ =	shalt  }
0x7e: {  	_ =	shalt  }
0x7f: {  	_ =	shalt  }
0x80: {  	_ =	shalt  }
0x81: {  	_ =	shalt  }
0x82: {  	_ =	shalt  }
0x83: {  	_ =	shalt  }
0x84: {  	_ =	shalt  }
0x85: {  	_ =	shalt  }
0x86: {  	_ =	shalt  }
0x87: {  	_ =	shalt  }
.Lfunc_end0:
.L_simem_size_0:
called_computation_lowered:
.L_overlay_start_0:
0x88: {  	s2 =	sld [smem:$0x3FD9]  }
0x89: {  	s3 =	sld [smem:$0x3FFE];
	_ =	sdelay $0x1  }
0x8a: {  	s1 =	srdreg.scid  }
0x8b: {  	s0 =	sand.u32 $0x1, s1  }
0x8c: {  	s17 =	sshll.u32 s0, $0xA;
	s2 =	sadd.s32 s3, s2  }
0x8d: {  	s2 =	sadd.s32 s2, s17  }
0x8e: {  	[smem:$0x3FC5] =	sst s2  }
0x8f: {  	_ = 	snop  }
0x90: {  	s2 =	sld [smem:$0x3FD0];
	(tm) =	ssettm $0x1  }
0x91: {  	s18 =	sld [smem:$0x3FFB];
	_ =	sdelay $0x3  }
0x92: {  	_ =	strace s18  }
0x93: {  	s3 =	sld [smem:$0x3FFC];
	_ =	sdelay $0x3  }
0x94: {  	_ =	strace s3  }
0x95: {  	s3 =	sld [smem:$0x3FFD];
	_ =	sdelay $0x3  }
0x96: {  	_ =	strace s3  }
0x97: {  	_ =	strace $0x8FFFFFFF  }
0x98: {  	s19 =	sld [smem:$0x3FDB];
	_ =	sdelay $0x1  }
0x99: {  	s4 =	simm.s32 $_scs_section_size  }
0x9a: {  	s5 =	simm.s32 $_size__tile_overlayer_lowered;
	s6 =	simm.s32 $_tile_overlayer_lowered  }
0x9b: {  	s22 =	simm.s32 $0x1BFF;
	s21 =	sshll.u32 s6, $0x1;
	s3 =	sadd.s32 s4, s19  }
0x9c: {  	s7 =	simm.s32 $0x0;
	s20 =	sshll.u32 s5, $0x1;
	s5 =	sadd.s32 s21, s3  }
0x9d: {  	[timem:s7], [sflag:s22] =	dma.local [hbm:s5], s20  }
0x9e: {  	_ =	swait.ge [sflag:s22], s20  }
0x9f: {  	s4 =	ssub.s32 $0x0, s20;
	[sflag:s22] =	ssyncset.done $0x0  }
0xa0: {  	[sflag:s22] =	ssyncadd.s32 s4;
	_ =	sdelay $0x1  }
0xa1: {  	s23 =	simm.s32 $0x1B8B  }
0xa2: {  	_ =	swait.ge [sflag:s23], $0x1  }
0xa3: {  	[sflag:s23] =	ssyncset.done $0x0  }
0xa4: {  	s25 =	simm.s32 $0x1B8E;
	s24 =	sld [smem:$0x3FFE];
	[sflag:s23] =	ssyncadd.s32 $0xFFFFFFFF  }
0xa5: {  	s26 =	simm.s32 $execute0_lowered;
	[smem:$0x3FD2] =	sst s25  }
0xa6: {  	s5 =	sshll.u32 s26, $0x1;
	_ =	strace $0x80000046;
	[dreg:$0x1] =	wrdreg $0xFFFFFFFF  }
0xa7: {  	s28 =	simm.s32 $_size_execute0_lowered;
	s3 =	sadd.s32 s3, s5;
	[dreg:$0x0] =	wrdreg $0x0  }
0xa8: {  	s5 =	sshll.u32 s28, $0x1;
	[dreg:$0x2] =	wrdreg s3  }
0xa9: {  	[dreg:$0x3] =	wrdreg s5  }
0xaa: {  	[dreg:$0x4] =	wrdreg $0xC0  }
0xab: {  	_ =	task [dreg:s7], $0x5FFFF  }
0xac: {  	[dreg:$0x1] =	wrdreg $0xFFFFFFFF  }
0xad: {  	[dreg:$0x0] =	wrdreg $0x60  }
0xae: {  	[dreg:$0x2] =	wrdreg s2  }
0xaf: {  	[dreg:$0x3] =	wrdreg s24  }
0xb0: {  	[dreg:$0x4] =	wrdreg $0x9  }
0xb1: {  	_ =	task.clear_ibuf [dreg:s7], $0x5FFFF;
	_ =	strace $0x90000046  }
0xb2: {  	s29 =	simm.s32 $0x9;
	_ =	strace $0x80000048  }
0xb3: {  	_ =	swait.ge [sflag:s29], $0x1  }
0xb4: {  	[sflag:s29] =	ssyncadd.s32 $0xFFFFFFFF  }
0xb5: {  	_ =	strace $0x90000048  }
0xb6: {  	_ =	sfence  }
0xb7: {  	s30 =	sld [smem:$0x0];
	_ =	sdelay $0x2  }
0xb8: {  	s31 =	sshll.u32 s1, $0xD;
	s1 =	sshrl.u32 s1, $0x2  }
0xb9: {  	s3 =	sand.u32 $0x4000, s31;
	s1 =	sadd.s32 s1, s30  }
0xba: {  	s0 =	sor.u32 s3, s0;
	s1 =	sshll.u32 s1, $0x11  }
0xbb: {  	s0 =	sor.u32 s1, s0  }
0xbc: {  	s0 =	sadd.s32 $0x8F2B, s0  }
0xbd: {  	[sflag:s0] =	ssyncadd.remote.s32 $0x1  }
0xbe: {  	_ =	sfence.sel $0xFFFF  }
0xbf: {  	[dreg:$0x0] =	wrdreg $0xFFFFFFFF;
	(pc) =	sbr.abs _section_cstart, $3  }
0xc0: {  	[dreg:$0x1] =	wrdreg $0xFFFFFFFF  }
0xc1: {  	_ =	task.clear_ibuf [dreg:s7], $0x2FFFF;
	_ =	strace $0x9FFFFFFF  }
0xc2: {  	(tm) =	ssettm $0x7FFFFFFF  }
0xc3: {  	_ =	shalt  }
tec
execute0_lowered:
.L_overlay_start_1:
0x0: {  	(tag) =	ssettag $0x1  }
0x1: {  	s0 =	rddreg [dreg:$0x0]  }
0x2: {  	s1 =	rddreg [dreg:$0x1];
	s3 =	srdreg.scid  }
0x3: {  	s2 =	simm.s32 $0x0;
	s4 =	stileid.u32;
	s11 =	simm.s32 $0x28  }
0x4: {  	s12 =	simm.s32 $0x9600;
	s17 =	simm.s32 $0xC800;
	s21 =	simm.s32 $0xF000  }
0x5: {  	s22 =	simm.s32 $0xFA00;
	s23 =	simm.s32 $0x10400;
	s28 =	simm.s32 $0x12C00  }
0x6: {  	s29 =	simm.s32 $0x13600;
	s30 =	simm.s32 $0x14000;
	s31 =	simm.s32 $0x14A00  }
0x7: {  	s10 =	simm.s32 $0x2;
	s9 =	simm.s32 $0x0;
	s3 =	sand.u32 $0x1, s3  }
0x8: {  	[smem:$0x7FF] =	sst s2;
	s4 =	sshll.u32 s4, $0x8;
	s6 =	sadd.s32 $0x400, s1  }
0x9: {  	s5 =	sshll.u32 s3, $0x7;
	_ =	strace $0x80000047;
	s7 =	ssub.s32 $0x2, s3  }
0xa: {  	[dreg:$0x3] =	wrdreg s6;
	s6 =	sadd.s32 $0x7A1E00, s1;
	s3 =	sor.u32 s5, s4  }
0xb: {  	s4 =	sadd.s32 $0xC00, s1;
	s24 =	sshrl.u32 s7, $0x1;
	s1 =	simm.s32 $0x1  }
0xc: {  	s5 =	simm.s32 $0x3;
	s8 =	smul.u32 $0x19, s3;
	s25 =	ssub.s32 s7, s24  }
0xd: {  	s24 =	simm.s32 $0x10E00;
	s7 =	simm.s32 $0x4;
	s26 =	smax.u32 s25, $0x1  }
0xe: {  	s25 =	simm.s32 $0x11800;
	s0 =	sadd.s32 s0, s8;
	[dreg:$0x5] =	wrdreg s26  }
0xf: {  	s26 =	simm.s32 $0x12200;
	[dreg:$0x4] =	wrdreg s0;
	s0 =	simm.s32 $0x15400  }
.LBB2_1:
0x10: {  	[dreg:$0x6] =	wrdreg s9  }
0x11: {  	s8 =	rddreg [dreg:$0x4];
	s19 =	simm.s32 $0x5  }
0x12: {  	[tilespmem:s2], [sflag:$0x5] =	stream.linear.gather [hbm4b:s8+s2], $0x6400, $0x38;
	[tilespmem:$0x15E00] =	vst v63  }
0x13: {  	_ =	swait.ge [sflag:s19], $0x6400  }
0x14: {  	[sflag:s19] =	ssyncset.done $0x0  }
0x15: {  	s13 =	simm.s32 $0x6400;
	s20 =	rddreg [dreg:$0x3];
	[sflag:s19] =	ssyncadd.s32 $0xFFFF9C00  }
0x16: {  	[tilespmem:s13], [sflag:$0x5] =	stream.linear.gather [hbm4b:s20+s2], $0x3200, $0x38;
	[tilespmem:$0x15E00] =	vst v63  }
0x17: {  	_ =	swait.ge [sflag:s19], $0x3200  }
0x18: {  	[sflag:s19] =	ssyncset.done $0x0  }
0x19: {  	s9 =	simm.s32 $0x0;
	[sflag:s19] =	ssyncadd.s32 $0xFFFFCE00  }
.LBB2_2:
0x1a: {  	s8 =	smul.u32 $0xC80, s9;
	_ =	sdelay $0x1  }
0x1b: {  	s14 =	sshra.s32 s8, $0x2  }
0x1c: {  	[tilespmem:s12], [sflag:$0x1] =	stream.indirect.gather [hbm4b:s4+s11], $0x40, s14, s11, $0xb8;
	[tilespmem:$0x15E00] =	vst v63  }
0x1d: {  	s13 =	simm.s32 $0xA000;
	s8 =	sadd.s32 $0x28, s14  }
0x1e: {  	[tilespmem:s13], [sflag:$0x1] =	stream.indirect.gather [hbm4b:s4+s11], $0x40, s8, s11, $0xb8;
	[tilespmem:$0x15E00] =	vst v63  }
0x1f: {  	s20 =	simm.s32 $0xAA00;
	s19 =	sadd.s32 $0x50, s14  }
0x20: {  	[tilespmem:s20], [sflag:$0x1] =	stream.indirect.gather [hbm4b:s4+s11], $0x40, s19, s11, $0xb8;
	[tilespmem:$0x15E00] =	vst v63  }
0x21: {  	s16 =	simm.s32 $0xB400;
	s15 =	sadd.s32 $0x78, s14  }
0x22: {  	[tilespmem:s16], [sflag:$0x1] =	stream.indirect.gather [hbm4b:s4+s11], $0x40, s15, s11, $0xb8;
	[tilespmem:$0x15E00] =	vst v63  }
0x23: {  	s18 =	sadd.s32 $0xA0, s14;
	s19 =	simm.s32 $0xBE00  }
0x24: {  	[tilespmem:s19], [sflag:$0x1] =	stream.indirect.gather [hbm4b:s4+s11], $0x40, s18, s11, $0xb8;
	[tilespmem:$0x15E00] =	vst v63  }
0x25: {  	s20 =	sadd.s32 $0xC8, s14  }
0x26: {  	[tilespmem:s17], [sflag:$0x1] =	stream.indirect.gather [hbm4b:s4+s11], $0x40, s20, s11, $0xb8;
	[tilespmem:$0x15E00] =	vst v63  }
0x27: {  	s13 =	sadd.s32 $0xF0, s14;
	s15 =	simm.s32 $0xD200  }
0x28: {  	[tilespmem:s15], [sflag:$0x1] =	stream.indirect.gather [hbm4b:s4+s11], $0x40, s13, s11, $0xb8;
	[tilespmem:$0x15E00] =	vst v63  }
0x29: {  	s16 =	sadd.s32 $0x118, s14;
	s13 =	sshll.u32 s9, $0x2;
	s15 =	simm.s32 $0xDC00  }
0x2a: {  	[tilespmem:s15], [sflag:$0x1] =	stream.indirect.gather [hbm4b:s4+s11], $0x40, s16, s11, $0xb8;
	[tilespmem:$0x15E00] =	vst v63  }
0x2b: {  	s18 =	sadd.s32 $0x140, s14;
	s8 =	sor.u32 $0x2, s13;
	s16 =	simm.s32 $0xE600  }
0x2c: {  	[tilespmem:s16], [sflag:$0x1] =	stream.indirect.gather [hbm4b:s4+s11], $0x40, s18, s11, $0xb8;
	[tilespmem:$0x15E00] =	vst v63  }
0x2d: {  	s19 =	sadd.s32 $0x168, s14;
	s20 =	smul.u32 $0x320, s8  }
0x2e: {  	[tilespmem:s21], [sflag:$0x1] =	stream.indirect.gather [hbm4b:s4+s11], $0x40, s19, s11, $0xb8;
	[tilespmem:$0x15E00] =	vst v63  }
0x2f: {  	s18 =	sshra.s32 s20, $0x2  }
0x30: {  	[tilespmem:s22], [sflag:$0x2] =	stream.indirect.gather [hbm4b:s4+s11], $0x40, s18, s11, $0xb8;
	[tilespmem:$0x15E00] =	vst v63  }
0x31: {  	s16 =	sadd.s32 $0x28, s18  }
0x32: {  	[tilespmem:s23], [sflag:$0x2] =	stream.indirect.gather [hbm4b:s4+s11], $0x40, s16, s11, $0xb8;
	[tilespmem:$0x15E00] =	vst v63  }
0x33: {  	s19 =	sadd.s32 $0x50, s18  }
0x34: {  	[tilespmem:s24], [sflag:$0x2] =	stream.indirect.gather [hbm4b:s4+s11], $0x40, s19, s11, $0xb8;
	[tilespmem:$0x15E00] =	vst v63  }
0x35: {  	s20 =	sadd.s32 $0x78, s18  }
0x36: {  	[tilespmem:s25], [sflag:$0x2] =	stream.indirect.gather [hbm4b:s4+s11], $0x40, s20, s11, $0xb8;
	[tilespmem:$0x15E00] =	vst v63  }
0x37: {  	s15 =	sadd.s32 $0xA0, s18  }
0x38: {  	[tilespmem:s26], [sflag:$0x2] =	stream.indirect.gather [hbm4b:s4+s11], $0x40, s15, s11, $0xb8;
	[tilespmem:$0x15E00] =	vst v63  }
0x39: {  	s16 =	sadd.s32 $0x258, s14  }
0x3a: {  	[tilespmem:s28], [sflag:$0x2] =	stream.indirect.gather [hbm4b:s4+s11], $0x40, s16, s11, $0xb8;
	[tilespmem:$0x15E00] =	vst v63  }
0x3b: {  	s18 =	sadd.s32 $0x280, s14  }
0x3c: {  	[tilespmem:s29], [sflag:$0x2] =	stream.indirect.gather [hbm4b:s4+s11], $0x40, s18, s11, $0xb8;
	[tilespmem:$0x15E00] =	vst v63  }
0x3d: {  	s19 =	sadd.s32 $0x2A8, s14  }
0x3e: {  	[tilespmem:s30], [sflag:$0x2] =	stream.indirect.gather [hbm4b:s4+s11], $0x40, s19, s11, $0xb8;
	[tilespmem:$0x15E00] =	vst v63  }
0x3f: {  	s20 =	sadd.s32 $0x2D0, s14  }
0x40: {  	[tilespmem:s31], [sflag:$0x2] =	stream.indirect.gather [hbm4b:s4+s11], $0x40, s20, s11, $0xb8;
	[tilespmem:$0x15E00] =	vst v63  }
0x41: {  	s14 =	sadd.s32 $0x2F8, s14  }
0x42: {  	[tilespmem:s0], [sflag:$0x2] =	stream.indirect.gather [hbm4b:s4+s11], $0x40, s14, s11, $0xb8;
	[tilespmem:$0x15E00] =	vst v63  }
0x43: {  	_ =	swait.ge [sflag:s1], $0xA00  }
0x44: {  	[sflag:s1] =	ssyncset.done $0x0  }
0x45: {  	[sflag:s1] =	ssyncadd.s32 $0xFFFFF600  }
0x46: {  	_ =	swait.ge [sflag:s1], $0xA00  }
0x47: {  	[sflag:s1] =	ssyncset.done $0x0  }
0x48: {  	[sflag:s1] =	ssyncadd.s32 $0xFFFFF600  }
0x49: {  	_ =	swait.ge [sflag:s1], $0xA00  }
0x4a: {  	[sflag:s1] =	ssyncset.done $0x0  }
0x4b: {  	[sflag:s1] =	ssyncadd.s32 $0xFFFFF600  }
0x4c: {  	_ =	swait.ge [sflag:s1], $0xA00  }
0x4d: {  	[sflag:s1] =	ssyncset.done $0x0  }
0x4e: {  	[sflag:s1] =	ssyncadd.s32 $0xFFFFF600  }
0x4f: {  	_ =	swait.ge [sflag:s1], $0xA00  }
0x50: {  	[sflag:s1] =	ssyncset.done $0x0  }
0x51: {  	[sflag:s1] =	ssyncadd.s32 $0xFFFFF600  }
0x52: {  	_ =	swait.ge [sflag:s1], $0xA00  }
0x53: {  	[sflag:s1] =	ssyncset.done $0x0  }
0x54: {  	[sflag:s1] =	ssyncadd.s32 $0xFFFFF600  }
0x55: {  	_ =	swait.ge [sflag:s1], $0xA00  }
0x56: {  	[sflag:s1] =	ssyncset.done $0x0  }
0x57: {  	[sflag:s1] =	ssyncadd.s32 $0xFFFFF600  }
0x58: {  	_ =	swait.ge [sflag:s1], $0xA00  }
0x59: {  	[sflag:s1] =	ssyncset.done $0x0  }
0x5a: {  	[sflag:s1] =	ssyncadd.s32 $0xFFFFF600  }
0x5b: {  	_ =	swait.ge [sflag:s1], $0xA00  }
0x5c: {  	[sflag:s1] =	ssyncset.done $0x0  }
0x5d: {  	[sflag:s1] =	ssyncadd.s32 $0xFFFFF600  }
0x5e: {  	_ =	swait.ge [sflag:s1], $0xA00  }
0x5f: {  	[sflag:s1] =	ssyncset.done $0x0  }
0x60: {  	s16 =	simm.s32 $0x9700;
	[sflag:s1] =	ssyncadd.s32 $0xFFFFF600  }
0x61: {  	s14 =	simm.s32 $0x6500;
	v0 =	vld [tilespmem:s16+$0xC0]  }
0x62: {  	v1 =	vld [tilespmem:s14+$0xC0]  }
0x63: {  	v2 =	vld [tilespmem:s14+$0xFFFFFF00]  }
0x64: {  	v3 =	vld [tilespmem:s16+$0xFFFFFF40]  }
0x65: {  	v4 =	vld [tilespmem:s16+$0xFFFFFF80]  }
0x66: {  	v6 =	vld [tilespmem:s14+$0xFFFFFF80]  }
0x67: {  	v7 =	vld [tilespmem:s16+$0xFFFFFFC0]  }
0x68: {  	v8 =	vld [tilespmem:s14+$0xFFFFFFC0]  }
0x69: {  	v9 =	vld [tilespmem:s16+$0x0]  }
0x6a: {  	v10 =	vld [tilespmem:s14+$0x0]  }
0x6b: {  	v11 =	vld [tilespmem:s14+$0x40]  }
0x6c: {  	v60 =	vld [tilespmem:s16+$0xFFFFFFD0]  }
0x6d: {  	v13 =	vld [tilespmem:s16+$0x10]  }
0x6e: {  	v61 =	vld [tilespmem:s16+$0xFFFFFFE0]  }
0x6f: {  	v62 =	vld [tilespmem:s16+$0x60];
	v0 =	vadd.f32 v1, v0  }
0x70: {  	v1 =	vld [tilespmem:s14+$0xFFFFFF40]  }
0x71: {  	[tilespmem:s16+$0xC0] =	vst v0;
	v0 =	vld [tilespmem:s16+$0xD0]  }
0x72: {  	v5 =	vld [tilespmem:s14+$0xD0]  }
0x73: {  	v63 =	vld [tilespmem:s16+$0xFFFFFF30];
	v4 =	vadd.f32 v6, v4  }
0x74: {  	v6 =	vld [tilespmem:s14+$0x80]  }
0x75: {  	[tilespmem:s16+$0xFFFFFF80] =	vst v4;
	v4 =	vadd.f32 v10, v9;
	v10 =	vld [tilespmem:s16+$0xFFFFFF50];
	v1 =	vadd.f32 v1, v3  }
0x76: {  	v3 =	vld [tilespmem:s16+$0x80]  }
0x77: {  	[tilespmem:s16+$0xFFFFFF40] =	vst v1;
	v0 =	vadd.f32 v5, v0;
	v5 =	vld [tilespmem:s16+$0x40]  }
0x78: {  	v1 =	vadd.f32 v8, v7;
	v8 =	vld [tilespmem:s14+$0xFFFFFF50]  }
0x79: {  	[tilespmem:s16+$0xD0] =	vst v0;
	v0 =	vld [tilespmem:s16+$0xE0]  }
0x7a: {  	[tilespmem:s16+$0x0] =	vst v4;
	v12 =	vld [tilespmem:s14+$0xE0]  }
0x7b: {  	v9 =	vld [tilespmem:s14+$0x10]  }
0x7c: {  	v7 =	vld [tilespmem:s16+$0xFFFFFF00]  }
0x7d: {  	[tilespmem:s16+$0xFFFFFFC0] =	vst v1;
	v1 =	vld [tilespmem:s14+$0xFFFFFF90]  }
0x7e: {  	v4 =	vld [tilespmem:s14+$0xFFFFFFD0];
	v8 =	vadd.f32 v8, v10  }
0x7f: {  	v5 =	vadd.f32 v11, v5;
	v11 =	vld [tilespmem:s16+$0xFFFFFF90];
	v0 =	vadd.f32 v12, v0  }
0x80: {  	v10 =	vld [tilespmem:s16+$0x90];
	[tilespmem:s16+$0xFFFFFF50] =	vst v8  }
0x81: {  	v8 =	vld [tilespmem:s14+$0xFFFFFF60];
	[tilespmem:s16+$0xE0] =	vst v0;
	v0 =	vadd.f32 v2, v7  }
0x82: {  	[tilespmem:s16+$0x40] =	vst v5;
	v7 =	vld [tilespmem:s16+$0xF0];
	v2 =	vadd.f32 v6, v3  }
0x83: {  	v5 =	vld [tilespmem:s14+$0xF0];
	[tilespmem:s16+$0xFFFFFF00] =	vst v0  }
0x84: {  	v1 =	vadd.f32 v1, v11;
	[tilespmem:s16+$0x80] =	vst v2;
	v2 =	vld [tilespmem:s16+$0xFFFFFF10]  }
0x85: {  	v3 =	vld [tilespmem:s14+$0xFFFFFF10]  }
0x86: {  	[tilespmem:s16+$0xFFFFFF90] =	vst v1;
	v1 =	vadd.f32 v9, v13;
	v6 =	vld [tilespmem:s14+$0x90]  }
0x87: {  	v4 =	vadd.f32 v4, v60;
	v0 =	vld [tilespmem:s14+$0x50]  }
0x88: {  	v9 =	vld [tilespmem:s14+$0xFFFFFFA0];
	[tilespmem:s16+$0x10] =	vst v1  }
0x89: {  	[tilespmem:s16+$0xFFFFFFD0] =	vst v4;
	v4 =	vld [tilespmem:s14+$0x20]  }
0x8a: {  	v5 =	vadd.f32 v5, v7;
	v2 =	vadd.f32 v3, v2;
	v3 =	vld [tilespmem:s16+$0x50]  }
0x8b: {  	v1 =	vadd.f32 v6, v10;
	v10 =	vld [tilespmem:s16+$0xFFFFFFA0]  }
0x8c: {  	[tilespmem:s16+$0xF0] =	vst v5;
	v5 =	vld [tilespmem:s16+$0x70]  }
0x8d: {  	[tilespmem:s16+$0x90] =	vst v1;
	v1 =	vld [tilespmem:s16+$0xFFFFFF60]  }
0x8e: {  	[tilespmem:s16+$0xFFFFFF10] =	vst v2;
	v2 =	vld [tilespmem:s16+$0xFFFFFF20]  }
0x8f: {  	v11 =	vld [tilespmem:s14+$0xFFFFFF20]  }
0x90: {  	v6 =	vld [tilespmem:s14+$0xA0];
	v0 =	vadd.f32 v0, v3  }
0x91: {  	v3 =	vld [tilespmem:s14+$0xFFFFFFE0]  }
0x92: {  	[tilespmem:s16+$0x50] =	vst v0;
	v1 =	vadd.f32 v8, v1;
	v8 =	vadd.f32 v9, v10;
	v9 =	vld [tilespmem:s16+$0xFFFFFFB0]  }
0x93: {  	v0 =	vld [tilespmem:s14+$0x60]  }
0x94: {  	v2 =	vadd.f32 v11, v2;
	v11 =	vld [tilespmem:s16+$0x20];
	[tilespmem:s16+$0xFFFFFF60] =	vst v1  }
0x95: {  	[tilespmem:s16+$0xFFFFFFA0] =	vst v8;
	v8 =	vld [tilespmem:s16+$0xFFFFFFF0]  }
0x96: {  	[tilespmem:s16+$0xFFFFFF20] =	vst v2;
	v2 =	vld [tilespmem:s16+$0xA0]  }
0x97: {  	v1 =	vadd.f32 v3, v61;
	v14 =	vld [tilespmem:s14+$0xFFFFFF70]  }
0x98: {  	v10 =	vld [tilespmem:s14+$0xFFFFFF30]  }
0x99: {  	[tilespmem:s16+$0xFFFFFFE0] =	vst v1;
	v3 =	vadd.f32 v4, v11;
	v4 =	vld [tilespmem:s14+$0xFFFFFFB0]  }
0x9a: {  	v0 =	vadd.f32 v0, v62;
	v1 =	vld [tilespmem:s14+$0xFFFFFFF0]  }
0x9b: {  	v11 =	vld [tilespmem:s16+$0xFFFFFF70];
	[tilespmem:s16+$0x20] =	vst v3  }
0x9c: {  	v6 =	vadd.f32 v6, v2;
	[tilespmem:s16+$0x60] =	vst v0;
	v2 =	vld [tilespmem:s14+$0x30]  }
0x9d: {  	v3 =	vld [tilespmem:s14+$0x70]  }
0x9e: {  	v7 =	vadd.f32 v10, v63;
	[tilespmem:s16+$0xA0] =	vst v6;
	v6 =	vld [tilespmem:s16+$0x30]  }
0x9f: {  	s15 =	simm.s32 $0xC9F0;
	v0 =	vld [tilespmem:s14+$0xB0]  }
0xa0: {  	s18 =	simm.s32 $0x0;
	s19 =	simm.s32 $0x9900;
	s20 =	simm.s32 $0x6500;
	[tilespmem:s16+$0xFFFFFF30] =	vst v7;
	v10 =	vadd.f32 v14, v11;
	v7 =	vld [tilespmem:s16+$0xB0]  }
.LBB2_3:
0xa1: {  	v11 =	vld [tilespmem:s19+$0xC0];
	v4 =	vadd.f32 v4, v9;
	s20 =	sadd.s32 $0x200, s20  }
0xa2: {  	s18 =	sadd.s32 $0x8, s18;
	v9 =	vld [tilespmem:s20+$0xC0];
	[tilespmem:s16+$0xFFFFFF70] =	vst v10;
	v1 =	vadd.f32 v1, v8  }
0xa3: {  	p0 =	slt.u32 s18, $0xC0;
	v8 =	vld [tilespmem:s20+$0xFFFFFF00];
	[tilespmem:s16+$0xFFFFFFB0] =	vst v4;
	v2 =	vadd.f32 v2, v6  }
0xa4: {  	v4 =	vld [tilespmem:s19+$0xFFFFFF40];
	[tilespmem:s16+$0xFFFFFFF0] =	vst v1;
	v1 =	vadd.f32 v3, v5  }
0xa5: {  	v3 =	vld [tilespmem:s20+$0xFFFFFF40];
	[tilespmem:s16+$0x30] =	vst v2;
	v0 =	vadd.f32 v0, v7  }
0xa6: {  	v2 =	vld [tilespmem:s19+$0xFFFFFF80];
	[tilespmem:s16+$0x70] =	vst v1  }
0xa7: {  	v1 =	vld [tilespmem:s20+$0xFFFFFF80];
	v5 =	vadd.f32 v9, v11;
	[tilespmem:s16+$0xB0] =	vst v0;
	s16 =	smov.u32 s19  }
0xa8: {  	v0 =	vld [tilespmem:s19+$0xFFFFFFC0]  }
0xa9: {  	[tilespmem:s19+$0xC0] =	vst v5;
	v5 =	vld [tilespmem:s19+$0xD0]  }
0xaa: {  	v3 =	vadd.f32 v3, v4;
	v4 =	vld [tilespmem:s20+$0xD0]  }
0xab: {  	v6 =	vld [tilespmem:s20+$0xFFFFFFC0]  }
0xac: {  	[tilespmem:s19+$0xFFFFFF40] =	vst v3;
	v1 =	vadd.f32 v1, v2;
	v2 =	vld [tilespmem:s19+$0x0]  }
0xad: {  	v3 =	vld [tilespmem:s20+$0x0]  }
0xae: {  	[tilespmem:s19+$0xFFFFFF80] =	vst v1;
	v1 =	vld [tilespmem:s19+$0x40]  }
0xaf: {  	v7 =	vld [tilespmem:s20+$0x40];
	v4 =	vadd.f32 v4, v5  }
0xb0: {  	v0 =	vadd.f32 v6, v0;
	v5 =	vld [tilespmem:s19+$0x80]  }
0xb1: {  	[tilespmem:s19+$0xD0] =	vst v4;
	v4 =	vld [tilespmem:s19+$0xE0]  }
0xb2: {  	[tilespmem:s19+$0xFFFFFFC0] =	vst v0;
	v0 =	vadd.f32 v3, v2;
	v2 =	vld [tilespmem:s20+$0xE0]  }
0xb3: {  	v3 =	vld [tilespmem:s20+$0x80]  }
0xb4: {  	v6 =	vld [tilespmem:s19+$0xFFFFFF00];
	[tilespmem:s19+$0x0] =	vst v0;
	v0 =	vadd.f32 v7, v1  }
0xb5: {  	v1 =	vld [tilespmem:s20+$0xFFFFFF50]  }
0xb6: {  	v7 =	vld [tilespmem:s20+$0xFFFFFF90];
	[tilespmem:s19+$0x40] =	vst v0  }
0xb7: {  	v0 =	vld [tilespmem:s20+$0xFFFFFFD0];
	v2 =	vadd.f32 v2, v4  }
0xb8: {  	v4 =	vld [tilespmem:s20+$0x10];
	v3 =	vadd.f32 v3, v5  }
0xb9: {  	v5 =	vadd.f32 v8, v6;
	[tilespmem:s19+$0xE0] =	vst v2;
	v2 =	vld [tilespmem:s19+$0xF0]  }
0xba: {  	[tilespmem:s19+$0x80] =	vst v3;
	v3 =	vld [tilespmem:s20+$0xF0]  }
0xbb: {  	[tilespmem:s19+$0xFFFFFF00] =	vst v5;
	v5 =	vld [tilespmem:s20+$0x50]  }
0xbc: {  	v6 =	vld [tilespmem:s20+$0xFFFFFF10]  }
0xbd: {  	v8 =	vld [tilespmem:s20+$0x90]  }
0xbe: {  	v9 =	vld [tilespmem:s19+$0xFFFFFF10]  }
0xbf: {  	v10 =	vld [tilespmem:s19+$0xFFFFFF50];
	v2 =	vadd.f32 v3, v2  }
0xc0: {  	v3 =	vld [tilespmem:s19+$0xFFFFFF90]  }
0xc1: {  	v11 =	vld [tilespmem:s19+$0xFFFFFFD0];
	[tilespmem:s19+$0xF0] =	vst v2  }
0xc2: {  	v2 =	vld [tilespmem:s19+$0x10]  }
0xc3: {  	v6 =	vadd.f32 v6, v9;
	v9 =	vld [tilespmem:s19+$0x50]  }
0xc4: {  	v1 =	vadd.f32 v1, v10;
	v10 =	vld [tilespmem:s19+$0x90]  }
0xc5: {  	[tilespmem:s19+$0xFFFFFF10] =	vst v6;
	v6 =	vld [tilespmem:s19+$0xFFFFFF20];
	v3 =	vadd.f32 v7, v3  }
0xc6: {  	v7 =	vld [tilespmem:s20+$0xFFFFFF20];
	[tilespmem:s19+$0xFFFFFF50] =	vst v1;
	v0 =	vadd.f32 v0, v11  }
0xc7: {  	v1 =	vld [tilespmem:s20+$0xFFFFFF60];
	[tilespmem:s19+$0xFFFFFF90] =	vst v3;
	v2 =	vadd.f32 v4, v2  }
0xc8: {  	v3 =	vld [tilespmem:s20+$0xFFFFFFA0];
	[tilespmem:s19+$0xFFFFFFD0] =	vst v0;
	v0 =	vadd.f32 v5, v9  }
0xc9: {  	v4 =	vld [tilespmem:s20+$0xFFFFFFE0];
	[tilespmem:s19+$0x10] =	vst v2;
	v2 =	vadd.f32 v8, v10  }
0xca: {  	v5 =	vld [tilespmem:s20+$0x20];
	[tilespmem:s19+$0x50] =	vst v0  }
0xcb: {  	v0 =	vadd.f32 v7, v6;
	v6 =	vld [tilespmem:s20+$0x60];
	[tilespmem:s19+$0x90] =	vst v2  }
0xcc: {  	v2 =	vld [tilespmem:s20+$0xA0]  }
0xcd: {  	[tilespmem:s19+$0xFFFFFF20] =	vst v0;
	v0 =	vld [tilespmem:s19+$0xFFFFFF60]  }
0xce: {  	v7 =	vld [tilespmem:s19+$0xFFFFFFA0]  }
0xcf: {  	v8 =	vld [tilespmem:s19+$0xFFFFFFE0]  }
0xd0: {  	v9 =	vld [tilespmem:s19+$0x20]  }
0xd1: {  	v10 =	vld [tilespmem:s19+$0x60]  }
0xd2: {  	v0 =	vadd.f32 v1, v0;
	v11 =	vld [tilespmem:s19+$0xA0]  }
0xd3: {  	v12 =	vld [tilespmem:s20+$0xFFFFFF30];
	v1 =	vadd.f32 v3, v7  }
0xd4: {  	v3 =	vld [tilespmem:s19+$0xFFFFFF30];
	[tilespmem:s19+$0xFFFFFF60] =	vst v0;
	v0 =	vadd.f32 v4, v8  }
0xd5: {  	v7 =	vld [tilespmem:s20+$0xFFFFFF70];
	[tilespmem:s19+$0xFFFFFFA0] =	vst v1;
	v5 =	vadd.f32 v5, v9  }
0xd6: {  	v4 =	vld [tilespmem:s20+$0xFFFFFFB0];
	[tilespmem:s19+$0xFFFFFFE0] =	vst v0;
	v0 =	vadd.f32 v6, v10  }
0xd7: {  	v1 =	vld [tilespmem:s20+$0xFFFFFFF0];
	[tilespmem:s19+$0x20] =	vst v5;
	v5 =	vadd.f32 v2, v11  }
0xd8: {  	v2 =	vld [tilespmem:s20+$0x30];
	[tilespmem:s19+$0x60] =	vst v0  }
0xd9: {  	v6 =	vadd.f32 v12, v3;
	v3 =	vld [tilespmem:s20+$0x70];
	[tilespmem:s19+$0xA0] =	vst v5  }
0xda: {  	v0 =	vld [tilespmem:s20+$0xB0]  }
0xdb: {  	[tilespmem:s19+$0xFFFFFF30] =	vst v6;
	v10 =	vld [tilespmem:s19+$0xFFFFFF70]  }
.Ltmp0:
0xdc: {  	v9 =	vld [tilespmem:s19+$0xFFFFFFB0];
	(pc) =	sbr.rel @p0 .LBB2_3-.Ltmp0, $4  }
0xdd: {  	v8 =	vld [tilespmem:s19+$0xFFFFFFF0]  }
0xde: {  	v6 =	vld [tilespmem:s19+$0x30]  }
0xdf: {  	v5 =	vld [tilespmem:s19+$0x70]  }
0xe0: {  	s19 =	sadd.s32 $0x200, s19;
	v10 =	vadd.f32 v7, v10;
	v7 =	vld [tilespmem:s16+$0xB0]  }
0xe1: {  	v4 =	vadd.f32 v4, v9  }
0xe2: {  	[tilespmem:s16+$0xFFFFFF70] =	vst v10;
	v1 =	vadd.f32 v1, v8  }
0xe3: {  	[tilespmem:s16+$0xFFFFFFB0] =	vst v4;
	v2 =	vadd.f32 v2, v6  }
0xe4: {  	[tilespmem:s16+$0xFFFFFFF0] =	vst v1;
	v1 =	vadd.f32 v3, v5  }
0xe5: {  	[tilespmem:s16+$0x30] =	vst v2;
	v0 =	vadd.f32 v0, v7  }
0xe6: {  	[tilespmem:s16+$0x70] =	vst v1  }
0xe7: {  	[tilespmem:s16+$0xB0] =	vst v0  }
0xe8: {  	v0 =	vld [tilespmem:s15+$0xFFFFFFD0]  }
0xe9: {  	v1 =	vld [tilespmem:s14+$0xC0]  }
0xea: {  	v2 =	vld [tilespmem:s14+$0xFFFFFF00]  }
0xeb: {  	v3 =	vld [tilespmem:s15+$0xFFFFFE50]  }
0xec: {  	v4 =	vld [tilespmem:s15+$0xFFFFFE90]  }
0xed: {  	v6 =	vld [tilespmem:s14+$0xFFFFFF80]  }
0xee: {  	v7 =	vld [tilespmem:s15+$0xFFFFFED0]  }
0xef: {  	v8 =	vld [tilespmem:s14+$0xFFFFFFC0]  }
0xf0: {  	v9 =	vld [tilespmem:s15+$0xFFFFFF10]  }
0xf1: {  	v10 =	vld [tilespmem:s14+$0x0]  }
0xf2: {  	v11 =	vld [tilespmem:s14+$0x40]  }
0xf3: {  	v60 =	vld [tilespmem:s15+$0xFFFFFEE0]  }
0xf4: {  	v13 =	vld [tilespmem:s15+$0xFFFFFF20]  }
0xf5: {  	v61 =	vld [tilespmem:s15+$0xFFFFFEF0]  }
0xf6: {  	v62 =	vld [tilespmem:s15+$0xFFFFFF70];
	v0 =	vadd.f32 v1, v0  }
0xf7: {  	v1 =	vld [tilespmem:s14+$0xFFFFFF40]  }
0xf8: {  	[tilespmem:s15+$0xFFFFFFD0] =	vst v0;
	v0 =	vld [tilespmem:s15+$0xFFFFFFE0]  }
0xf9: {  	v5 =	vld [tilespmem:s14+$0xD0]  }
0xfa: {  	v63 =	vld [tilespmem:s15+$0xFFFFFE40];
	v4 =	vadd.f32 v6, v4  }
0xfb: {  	v6 =	vld [tilespmem:s14+$0x80]  }
0xfc: {  	[tilespmem:s15+$0xFFFFFE90] =	vst v4;
	v4 =	vadd.f32 v10, v9;
	v10 =	vld [tilespmem:s15+$0xFFFFFE60];
	v1 =	vadd.f32 v1, v3  }
0xfd: {  	v3 =	vld [tilespmem:s15+$0xFFFFFF90]  }
0xfe: {  	[tilespmem:s15+$0xFFFFFE50] =	vst v1;
	v0 =	vadd.f32 v5, v0;
	v5 =	vld [tilespmem:s15+$0xFFFFFF50]  }
0xff: {  	v1 =	vadd.f32 v8, v7;
	v8 =	vld [tilespmem:s14+$0xFFFFFF50]  }
0x100: {  	[tilespmem:s15+$0xFFFFFFE0] =	vst v0;
	v0 =	vld [tilespmem:s15+$0xFFFFFFF0]  }
0x101: {  	[tilespmem:s15+$0xFFFFFF10] =	vst v4;
	v12 =	vld [tilespmem:s14+$0xE0]  }
0x102: {  	v9 =	vld [tilespmem:s14+$0x10]  }
0x103: {  	v7 =	vld [tilespmem:s15+$0xFFFFFE10]  }
0x104: {  	[tilespmem:s15+$0xFFFFFED0] =	vst v1;
	v1 =	vld [tilespmem:s14+$0xFFFFFF90]  }
0x105: {  	v4 =	vld [tilespmem:s14+$0xFFFFFFD0];
	v8 =	vadd.f32 v8, v10  }
0x106: {  	v5 =	vadd.f32 v11, v5;
	v11 =	vld [tilespmem:s15+$0xFFFFFEA0];
	v0 =	vadd.f32 v12, v0  }
0x107: {  	v10 =	vld [tilespmem:s15+$0xFFFFFFA0];
	[tilespmem:s15+$0xFFFFFE60] =	vst v8  }
0x108: {  	v8 =	vld [tilespmem:s14+$0xFFFFFF60];
	[tilespmem:s15+$0xFFFFFFF0] =	vst v0;
	v0 =	vadd.f32 v2, v7  }
0x109: {  	[tilespmem:s15+$0xFFFFFF50] =	vst v5;
	v7 =	vld [tilespmem:s15+$0x0];
	v2 =	vadd.f32 v6, v3  }
0x10a: {  	v5 =	vld [tilespmem:s14+$0xF0];
	[tilespmem:s15+$0xFFFFFE10] =	vst v0  }
0x10b: {  	v1 =	vadd.f32 v1, v11;
	[tilespmem:s15+$0xFFFFFF90] =	vst v2;
	v2 =	vld [tilespmem:s15+$0xFFFFFE20]  }
0x10c: {  	v3 =	vld [tilespmem:s14+$0xFFFFFF10]  }
0x10d: {  	[tilespmem:s15+$0xFFFFFEA0] =	vst v1;
	v1 =	vadd.f32 v9, v13;
	v6 =	vld [tilespmem:s14+$0x90]  }
0x10e: {  	v4 =	vadd.f32 v4, v60;
	v0 =	vld [tilespmem:s14+$0x50]  }
0x10f: {  	v9 =	vld [tilespmem:s14+$0xFFFFFFA0];
	[tilespmem:s15+$0xFFFFFF20] =	vst v1  }
0x110: {  	[tilespmem:s15+$0xFFFFFEE0] =	vst v4;
	v4 =	vld [tilespmem:s14+$0x20]  }
0x111: {  	v2 =	vadd.f32 v3, v2;
	v3 =	vld [tilespmem:s15+$0xFFFFFF60]  }
0x112: {  	v1 =	vadd.f32 v6, v10;
	v10 =	vld [tilespmem:s15+$0xFFFFFEB0]  }
0x113: {  	[tilespmem:s15+$0xFFFFFE20] =	vst v2;
	v2 =	vld [tilespmem:s15+$0xFFFFFE30]  }
0x114: {  	v11 =	vld [tilespmem:s14+$0xFFFFFF20]  }
0x115: {  	v5 =	vadd.f32 v5, v7;
	[tilespmem:s15+$0xFFFFFFA0] =	vst v1;
	v1 =	vld [tilespmem:s15+$0xFFFFFE70]  }
0x116: {  	v7 =	vld [tilespmem:s15+$0xFFFFFF40]  }
0x117: {  	[tilespmem:s15+$0x0] =	vst v5;
	v5 =	vld [tilespmem:s15+$0xFFFFFF80]  }
0x118: {  	v6 =	vld [tilespmem:s14+$0xA0]  }
0x119: {  	v0 =	vadd.f32 v0, v3;
	v3 =	vld [tilespmem:s14+$0xFFFFFFE0];
	v2 =	vadd.f32 v11, v2  }
0x11a: {  	v1 =	vadd.f32 v8, v1;
	v8 =	vadd.f32 v9, v10;
	v9 =	vld [tilespmem:s15+$0xFFFFFEC0]  }
0x11b: {  	[tilespmem:s15+$0xFFFFFE30] =	vst v2;
	v2 =	vld [tilespmem:s15+$0xFFFFFFB0]  }
0x11c: {  	[tilespmem:s15+$0xFFFFFF60] =	vst v0;
	v11 =	vld [tilespmem:s15+$0xFFFFFF30]  }
0x11d: {  	v0 =	vld [tilespmem:s14+$0x60];
	[tilespmem:s15+$0xFFFFFE70] =	vst v1  }
0x11e: {  	[tilespmem:s15+$0xFFFFFEB0] =	vst v8;
	v8 =	vld [tilespmem:s15+$0xFFFFFF00]  }
0x11f: {  	v1 =	vadd.f32 v3, v61;
	v14 =	vld [tilespmem:s14+$0xFFFFFF70]  }
0x120: {  	v10 =	vld [tilespmem:s14+$0xFFFFFF30];
	v6 =	vadd.f32 v6, v2  }
0x121: {  	[tilespmem:s15+$0xFFFFFEF0] =	vst v1;
	v3 =	vadd.f32 v4, v11;
	v4 =	vld [tilespmem:s14+$0xFFFFFFB0]  }
0x122: {  	v0 =	vadd.f32 v0, v62;
	[tilespmem:s15+$0xFFFFFFB0] =	vst v6;
	v6 =	vld [tilespmem:s15+$0xFFFFFE80]  }
0x123: {  	v1 =	vld [tilespmem:s14+$0xFFFFFFF0];
	[tilespmem:s15+$0xFFFFFF30] =	vst v3  }
0x124: {  	[tilespmem:s15+$0xFFFFFF70] =	vst v0;
	v2 =	vld [tilespmem:s14+$0x30]  }
0x125: {  	v3 =	vld [tilespmem:s14+$0x70];
	v10 =	vadd.f32 v10, v63  }
0x126: {  	v0 =	vld [tilespmem:s14+$0xB0]  }
0x127: {  	s18 =	simm.s32 $0xCBF0;
	s16 =	simm.s32 $0x0;
	[tilespmem:s15+$0xFFFFFE40] =	vst v10;
	v10 =	vadd.f32 v14, v6;
	v6 =	vld [tilespmem:s15+$0xFFFFFFC0]  }
.LBB2_5:
0x128: {  	v11 =	vld [tilespmem:s18+$0xFFFFFFD0];
	v4 =	vadd.f32 v4, v9;
	s14 =	sadd.s32 $0x200, s14  }
0x129: {  	s16 =	sadd.s32 $0x8, s16;
	v9 =	vld [tilespmem:s14+$0xC0];
	[tilespmem:s15+$0xFFFFFE80] =	vst v10;
	v1 =	vadd.f32 v1, v8  }
0x12a: {  	p0 =	slt.u32 s16, $0xC0;
	v8 =	vld [tilespmem:s14+$0xFFFFFF00];
	[tilespmem:s15+$0xFFFFFEC0] =	vst v4;
	v2 =	vadd.f32 v2, v7  }
0x12b: {  	v4 =	vld [tilespmem:s18+$0xFFFFFE50];
	[tilespmem:s15+$0xFFFFFF00] =	vst v1;
	v1 =	vadd.f32 v3, v5  }
0x12c: {  	v3 =	vld [tilespmem:s14+$0xFFFFFF40];
	[tilespmem:s15+$0xFFFFFF40] =	vst v2;
	v0 =	vadd.f32 v0, v6  }
0x12d: {  	v2 =	vld [tilespmem:s18+$0xFFFFFE90];
	[tilespmem:s15+$0xFFFFFF80] =	vst v1  }
0x12e: {  	v1 =	vld [tilespmem:s14+$0xFFFFFF80];
	v5 =	vadd.f32 v9, v11;
	[tilespmem:s15+$0xFFFFFFC0] =	vst v0;
	s15 =	smov.u32 s18  }
0x12f: {  	v0 =	vld [tilespmem:s18+$0xFFFFFED0]  }
0x130: {  	[tilespmem:s18+$0xFFFFFFD0] =	vst v5;
	v5 =	vld [tilespmem:s18+$0xFFFFFFE0]  }
0x131: {  	v3 =	vadd.f32 v3, v4;
	v4 =	vld [tilespmem:s14+$0xD0]  }
0x132: {  	v6 =	vld [tilespmem:s14+$0xFFFFFFC0]  }
0x133: {  	[tilespmem:s18+$0xFFFFFE50] =	vst v3;
	v1 =	vadd.f32 v1, v2;
	v2 =	vld [tilespmem:s18+$0xFFFFFF10]  }
0x134: {  	v3 =	vld [tilespmem:s14+$0x0]  }
0x135: {  	[tilespmem:s18+$0xFFFFFE90] =	vst v1;
	v1 =	vld [tilespmem:s18+$0xFFFFFF50]  }
0x136: {  	v7 =	vld [tilespmem:s14+$0x40];
	v4 =	vadd.f32 v4, v5  }
0x137: {  	v0 =	vadd.f32 v6, v0;
	v5 =	vld [tilespmem:s18+$0xFFFFFF90]  }
0x138: {  	[tilespmem:s18+$0xFFFFFFE0] =	vst v4;
	v4 =	vld [tilespmem:s18+$0xFFFFFFF0]  }
0x139: {  	[tilespmem:s18+$0xFFFFFED0] =	vst v0;
	v0 =	vadd.f32 v3, v2;
	v2 =	vld [tilespmem:s14+$0xE0]  }
0x13a: {  	v3 =	vld [tilespmem:s14+$0x80]  }
0x13b: {  	v6 =	vld [tilespmem:s18+$0xFFFFFE10];
	[tilespmem:s18+$0xFFFFFF10] =	vst v0;
	v0 =	vadd.f32 v7, v1  }
0x13c: {  	v1 =	vld [tilespmem:s14+$0xFFFFFF50]  }
0x13d: {  	v7 =	vld [tilespmem:s14+$0xFFFFFF90];
	[tilespmem:s18+$0xFFFFFF50] =	vst v0  }
0x13e: {  	v0 =	vld [tilespmem:s14+$0xFFFFFFD0];
	v2 =	vadd.f32 v2, v4  }
0x13f: {  	v4 =	vld [tilespmem:s14+$0x10];
	v3 =	vadd.f32 v3, v5  }
0x140: {  	v5 =	vadd.f32 v8, v6;
	[tilespmem:s18+$0xFFFFFFF0] =	vst v2;
	v2 =	vld [tilespmem:s18+$0x0]  }
0x141: {  	[tilespmem:s18+$0xFFFFFF90] =	vst v3;
	v3 =	vld [tilespmem:s14+$0xF0]  }
0x142: {  	[tilespmem:s18+$0xFFFFFE10] =	vst v5;
	v5 =	vld [tilespmem:s14+$0x50]  }
0x143: {  	v6 =	vld [tilespmem:s14+$0xFFFFFF10]  }
0x144: {  	v8 =	vld [tilespmem:s14+$0x90]  }
0x145: {  	v9 =	vld [tilespmem:s18+$0xFFFFFE20]  }
0x146: {  	v10 =	vld [tilespmem:s18+$0xFFFFFE60];
	v2 =	vadd.f32 v3, v2  }
0x147: {  	v3 =	vld [tilespmem:s18+$0xFFFFFEA0]  }
0x148: {  	v11 =	vld [tilespmem:s18+$0xFFFFFEE0];
	[tilespmem:s18+$0x0] =	vst v2  }
0x149: {  	v2 =	vld [tilespmem:s18+$0xFFFFFF20]  }
0x14a: {  	v6 =	vadd.f32 v6, v9;
	v9 =	vld [tilespmem:s18+$0xFFFFFF60]  }
0x14b: {  	v1 =	vadd.f32 v1, v10;
	v10 =	vld [tilespmem:s18+$0xFFFFFFA0]  }
0x14c: {  	[tilespmem:s18+$0xFFFFFE20] =	vst v6;
	v6 =	vld [tilespmem:s18+$0xFFFFFE30];
	v3 =	vadd.f32 v7, v3  }
0x14d: {  	v7 =	vld [tilespmem:s14+$0xFFFFFF20];
	[tilespmem:s18+$0xFFFFFE60] =	vst v1;
	v0 =	vadd.f32 v0, v11  }
0x14e: {  	v1 =	vld [tilespmem:s14+$0xFFFFFF60];
	[tilespmem:s18+$0xFFFFFEA0] =	vst v3;
	v2 =	vadd.f32 v4, v2  }
0x14f: {  	v3 =	vld [tilespmem:s14+$0xFFFFFFA0];
	[tilespmem:s18+$0xFFFFFEE0] =	vst v0;
	v0 =	vadd.f32 v5, v9  }
0x150: {  	v4 =	vld [tilespmem:s14+$0xFFFFFFE0];
	[tilespmem:s18+$0xFFFFFF20] =	vst v2;
	v2 =	vadd.f32 v8, v10  }
0x151: {  	v5 =	vld [tilespmem:s14+$0x20];
	[tilespmem:s18+$0xFFFFFF60] =	vst v0  }
0x152: {  	v0 =	vadd.f32 v7, v6;
	v6 =	vld [tilespmem:s14+$0x60];
	[tilespmem:s18+$0xFFFFFFA0] =	vst v2  }
0x153: {  	v2 =	vld [tilespmem:s14+$0xA0]  }
0x154: {  	[tilespmem:s18+$0xFFFFFE30] =	vst v0;
	v0 =	vld [tilespmem:s18+$0xFFFFFE70]  }
0x155: {  	v7 =	vld [tilespmem:s18+$0xFFFFFEB0]  }
0x156: {  	v8 =	vld [tilespmem:s18+$0xFFFFFEF0]  }
0x157: {  	v9 =	vld [tilespmem:s18+$0xFFFFFF30]  }
0x158: {  	v10 =	vld [tilespmem:s18+$0xFFFFFF70]  }
0x159: {  	v0 =	vadd.f32 v1, v0;
	v11 =	vld [tilespmem:s18+$0xFFFFFFB0]  }
0x15a: {  	v12 =	vld [tilespmem:s14+$0xFFFFFF30];
	v1 =	vadd.f32 v3, v7  }
0x15b: {  	v3 =	vld [tilespmem:s18+$0xFFFFFE40];
	[tilespmem:s18+$0xFFFFFE70] =	vst v0;
	v0 =	vadd.f32 v4, v8  }
0x15c: {  	v13 =	vld [tilespmem:s14+$0xFFFFFF70];
	[tilespmem:s18+$0xFFFFFEB0] =	vst v1;
	v5 =	vadd.f32 v5, v9  }
0x15d: {  	v4 =	vld [tilespmem:s14+$0xFFFFFFB0];
	[tilespmem:s18+$0xFFFFFEF0] =	vst v0;
	v0 =	vadd.f32 v6, v10  }
0x15e: {  	v1 =	vld [tilespmem:s14+$0xFFFFFFF0];
	[tilespmem:s18+$0xFFFFFF30] =	vst v5;
	v5 =	vadd.f32 v2, v11  }
0x15f: {  	v2 =	vld [tilespmem:s14+$0x30];
	[tilespmem:s18+$0xFFFFFF70] =	vst v0  }
0x160: {  	v6 =	vadd.f32 v12, v3;
	v3 =	vld [tilespmem:s14+$0x70];
	[tilespmem:s18+$0xFFFFFFB0] =	vst v5  }
0x161: {  	v0 =	vld [tilespmem:s14+$0xB0]  }
0x162: {  	[tilespmem:s18+$0xFFFFFE40] =	vst v6;
	v6 =	vld [tilespmem:s18+$0xFFFFFE80]  }
.Ltmp1:
0x163: {  	v9 =	vld [tilespmem:s18+$0xFFFFFEC0];
	(pc) =	sbr.rel @p0 .LBB2_5-.Ltmp1, $4  }
0x164: {  	v8 =	vld [tilespmem:s18+$0xFFFFFF00]  }
0x165: {  	v7 =	vld [tilespmem:s18+$0xFFFFFF40]  }
0x166: {  	v5 =	vld [tilespmem:s18+$0xFFFFFF80]  }
0x167: {  	s18 =	sadd.s32 $0x200, s18;
	v10 =	vadd.f32 v13, v6;
	v6 =	vld [tilespmem:s15+$0xFFFFFFC0]  }
0x168: {  	v4 =	vadd.f32 v4, v9  }
0x169: {  	s13 =	sor.u32 s3, s13;
	[tilespmem:s15+$0xFFFFFE80] =	vst v10;
	v1 =	vadd.f32 v1, v8  }
0x16a: {  	s14 =	smul.u32 $0x640, s13;
	[tilespmem:s15+$0xFFFFFEC0] =	vst v4;
	v2 =	vadd.f32 v2, v7  }
0x16b: {  	s13 =	smul.u32 $0x3200, s13;
	[tilespmem:s15+$0xFFFFFF00] =	vst v1;
	v1 =	vadd.f32 v3, v5  }
0x16c: {  	[tilespmem:s15+$0xFFFFFF40] =	vst v2;
	v0 =	vadd.f32 v0, v6  }
0x16d: {  	s13 =	sshrl.u32 s13, $0x3;
	[tilespmem:s15+$0xFFFFFF80] =	vst v1  }
0x16e: {  	s14 =	sadd.s32 s6, s14;
	s13 =	sadd.s32 s6, s13;
	[tilespmem:s15+$0xFFFFFFC0] =	vst v0  }
0x16f: {  	[hbm4b:s14+s2] =	stream.linear.scatter [tilespmem:s12], [sflag:$0x3], $0x3200, $0x38;
	[tilespmem:$0x15E00] =	vst v63  }
0x170: {  	s13 =	sadd.s32 $0x640, s13  }
0x171: {  	[hbm4b:s13+s2] =	stream.linear.scatter [tilespmem:s17], [sflag:$0x3], $0x3200, $0x38;
	[tilespmem:$0x15E00] =	vst v63  }
0x172: {  	_ =	swait.ge [sflag:s10], $0xA00  }
0x173: {  	[sflag:s10] =	ssyncset.done $0x0  }
0x174: {  	[sflag:s10] =	ssyncadd.s32 $0xFFFFF600  }
0x175: {  	_ =	swait.ge [sflag:s10], $0xA00  }
0x176: {  	[sflag:s10] =	ssyncset.done $0x0  }
0x177: {  	[sflag:s10] =	ssyncadd.s32 $0xFFFFF600  }
0x178: {  	_ =	swait.ge [sflag:s10], $0xA00  }
0x179: {  	[sflag:s10] =	ssyncset.done $0x0  }
0x17a: {  	[sflag:s10] =	ssyncadd.s32 $0xFFFFF600  }
0x17b: {  	_ =	swait.ge [sflag:s10], $0xA00  }
0x17c: {  	[sflag:s10] =	ssyncset.done $0x0  }
0x17d: {  	[sflag:s10] =	ssyncadd.s32 $0xFFFFF600  }
0x17e: {  	_ =	swait.ge [sflag:s10], $0xA00  }
0x17f: {  	[sflag:s10] =	ssyncset.done $0x0  }
0x180: {  	[sflag:s10] =	ssyncadd.s32 $0xFFFFF600  }
0x181: {  	_ =	swait.ge [sflag:s10], $0xA00  }
0x182: {  	[sflag:s10] =	ssyncset.done $0x0  }
0x183: {  	[sflag:s10] =	ssyncadd.s32 $0xFFFFF600  }
0x184: {  	_ =	swait.ge [sflag:s10], $0xA00  }
0x185: {  	[sflag:s10] =	ssyncset.done $0x0  }
0x186: {  	[sflag:s10] =	ssyncadd.s32 $0xFFFFF600  }
0x187: {  	_ =	swait.ge [sflag:s10], $0xA00  }
0x188: {  	[sflag:s10] =	ssyncset.done $0x0  }
0x189: {  	[sflag:s10] =	ssyncadd.s32 $0xFFFFF600  }
0x18a: {  	_ =	swait.ge [sflag:s10], $0xA00  }
0x18b: {  	[sflag:s10] =	ssyncset.done $0x0  }
0x18c: {  	[sflag:s10] =	ssyncadd.s32 $0xFFFFF600  }
0x18d: {  	_ =	swait.ge [sflag:s10], $0xA00  }
0x18e: {  	[sflag:s10] =	ssyncset.done $0x0  }
0x18f: {  	s15 =	simm.s32 $0xFB00;
	[sflag:s10] =	ssyncadd.s32 $0xFFFFF600  }
0x190: {  	s13 =	simm.s32 $0x6500;
	v0 =	vld [tilespmem:s15+$0xC0]  }
0x191: {  	v1 =	vld [tilespmem:s13+$0xC0]  }
0x192: {  	v2 =	vld [tilespmem:s13+$0xFFFFFF00]  }
0x193: {  	v3 =	vld [tilespmem:s15+$0xFFFFFF40]  }
0x194: {  	v4 =	vld [tilespmem:s15+$0xFFFFFF80]  }
0x195: {  	v6 =	vld [tilespmem:s13+$0xFFFFFF80]  }
0x196: {  	v7 =	vld [tilespmem:s15+$0xFFFFFFC0]  }
0x197: {  	v8 =	vld [tilespmem:s13+$0xFFFFFFC0]  }
0x198: {  	v9 =	vld [tilespmem:s15+$0x0]  }
0x199: {  	v10 =	vld [tilespmem:s13+$0x0]  }
0x19a: {  	v11 =	vld [tilespmem:s13+$0x40]  }
0x19b: {  	v60 =	vld [tilespmem:s15+$0xFFFFFFD0]  }
0x19c: {  	v13 =	vld [tilespmem:s15+$0x10]  }
0x19d: {  	v61 =	vld [tilespmem:s15+$0xFFFFFFE0]  }
0x19e: {  	v62 =	vld [tilespmem:s15+$0x60];
	v0 =	vadd.f32 v1, v0  }
0x19f: {  	v1 =	vld [tilespmem:s13+$0xFFFFFF40]  }
0x1a0: {  	[tilespmem:s15+$0xC0] =	vst v0;
	v0 =	vld [tilespmem:s15+$0xD0]  }
0x1a1: {  	v5 =	vld [tilespmem:s13+$0xD0]  }
0x1a2: {  	v63 =	vld [tilespmem:s15+$0xFFFFFF30];
	v4 =	vadd.f32 v6, v4  }
0x1a3: {  	v6 =	vld [tilespmem:s13+$0x80]  }
0x1a4: {  	[tilespmem:s15+$0xFFFFFF80] =	vst v4;
	v4 =	vadd.f32 v10, v9;
	v10 =	vld [tilespmem:s15+$0xFFFFFF50];
	v1 =	vadd.f32 v1, v3  }
0x1a5: {  	v3 =	vld [tilespmem:s15+$0x80]  }
0x1a6: {  	[tilespmem:s15+$0xFFFFFF40] =	vst v1;
	v0 =	vadd.f32 v5, v0;
	v5 =	vld [tilespmem:s15+$0x40]  }
0x1a7: {  	v1 =	vadd.f32 v8, v7;
	v8 =	vld [tilespmem:s13+$0xFFFFFF50]  }
0x1a8: {  	[tilespmem:s15+$0xD0] =	vst v0;
	v0 =	vld [tilespmem:s15+$0xE0]  }
0x1a9: {  	[tilespmem:s15+$0x0] =	vst v4;
	v12 =	vld [tilespmem:s13+$0xE0]  }
0x1aa: {  	v9 =	vld [tilespmem:s13+$0x10]  }
0x1ab: {  	v7 =	vld [tilespmem:s15+$0xFFFFFF00]  }
0x1ac: {  	[tilespmem:s15+$0xFFFFFFC0] =	vst v1;
	v1 =	vld [tilespmem:s13+$0xFFFFFF90]  }
0x1ad: {  	v4 =	vld [tilespmem:s13+$0xFFFFFFD0];
	v8 =	vadd.f32 v8, v10  }
0x1ae: {  	v5 =	vadd.f32 v11, v5;
	v11 =	vld [tilespmem:s15+$0xFFFFFF90];
	v0 =	vadd.f32 v12, v0  }
0x1af: {  	v10 =	vld [tilespmem:s15+$0x90];
	[tilespmem:s15+$0xFFFFFF50] =	vst v8  }
0x1b0: {  	v8 =	vld [tilespmem:s13+$0xFFFFFF60];
	[tilespmem:s15+$0xE0] =	vst v0;
	v0 =	vadd.f32 v2, v7  }
0x1b1: {  	[tilespmem:s15+$0x40] =	vst v5;
	v7 =	vld [tilespmem:s15+$0xF0];
	v2 =	vadd.f32 v6, v3  }
0x1b2: {  	v5 =	vld [tilespmem:s13+$0xF0];
	[tilespmem:s15+$0xFFFFFF00] =	vst v0  }
0x1b3: {  	v1 =	vadd.f32 v1, v11;
	[tilespmem:s15+$0x80] =	vst v2;
	v2 =	vld [tilespmem:s15+$0xFFFFFF10]  }
0x1b4: {  	v3 =	vld [tilespmem:s13+$0xFFFFFF10]  }
0x1b5: {  	[tilespmem:s15+$0xFFFFFF90] =	vst v1;
	v1 =	vadd.f32 v9, v13;
	v6 =	vld [tilespmem:s13+$0x90]  }
0x1b6: {  	v4 =	vadd.f32 v4, v60;
	v0 =	vld [tilespmem:s13+$0x50]  }
0x1b7: {  	v9 =	vld [tilespmem:s13+$0xFFFFFFA0];
	[tilespmem:s15+$0x10] =	vst v1  }
0x1b8: {  	[tilespmem:s15+$0xFFFFFFD0] =	vst v4;
	v4 =	vld [tilespmem:s13+$0x20]  }
0x1b9: {  	v5 =	vadd.f32 v5, v7;
	v2 =	vadd.f32 v3, v2;
	v3 =	vld [tilespmem:s15+$0x50]  }
0x1ba: {  	v1 =	vadd.f32 v6, v10;
	v10 =	vld [tilespmem:s15+$0xFFFFFFA0]  }
0x1bb: {  	[tilespmem:s15+$0xF0] =	vst v5;
	v5 =	vld [tilespmem:s15+$0x70]  }
0x1bc: {  	[tilespmem:s15+$0x90] =	vst v1;
	v1 =	vld [tilespmem:s15+$0xFFFFFF60]  }
0x1bd: {  	[tilespmem:s15+$0xFFFFFF10] =	vst v2;
	v2 =	vld [tilespmem:s15+$0xFFFFFF20]  }
0x1be: {  	v11 =	vld [tilespmem:s13+$0xFFFFFF20]  }
0x1bf: {  	v6 =	vld [tilespmem:s13+$0xA0];
	v0 =	vadd.f32 v0, v3  }
0x1c0: {  	v3 =	vld [tilespmem:s13+$0xFFFFFFE0]  }
0x1c1: {  	[tilespmem:s15+$0x50] =	vst v0;
	v1 =	vadd.f32 v8, v1;
	v8 =	vadd.f32 v9, v10;
	v9 =	vld [tilespmem:s15+$0xFFFFFFB0]  }
0x1c2: {  	v0 =	vld [tilespmem:s13+$0x60]  }
0x1c3: {  	v2 =	vadd.f32 v11, v2;
	v11 =	vld [tilespmem:s15+$0x20];
	[tilespmem:s15+$0xFFFFFF60] =	vst v1  }
0x1c4: {  	[tilespmem:s15+$0xFFFFFFA0] =	vst v8;
	v8 =	vld [tilespmem:s15+$0xFFFFFFF0]  }
0x1c5: {  	[tilespmem:s15+$0xFFFFFF20] =	vst v2;
	v2 =	vld [tilespmem:s15+$0xA0]  }
0x1c6: {  	v1 =	vadd.f32 v3, v61;
	v14 =	vld [tilespmem:s13+$0xFFFFFF70]  }
0x1c7: {  	v10 =	vld [tilespmem:s13+$0xFFFFFF30]  }
0x1c8: {  	[tilespmem:s15+$0xFFFFFFE0] =	vst v1;
	v3 =	vadd.f32 v4, v11;
	v4 =	vld [tilespmem:s13+$0xFFFFFFB0]  }
0x1c9: {  	v0 =	vadd.f32 v0, v62;
	v1 =	vld [tilespmem:s13+$0xFFFFFFF0]  }
0x1ca: {  	v11 =	vld [tilespmem:s15+$0xFFFFFF70];
	[tilespmem:s15+$0x20] =	vst v3  }
0x1cb: {  	v6 =	vadd.f32 v6, v2;
	[tilespmem:s15+$0x60] =	vst v0;
	v2 =	vld [tilespmem:s13+$0x30]  }
0x1cc: {  	v3 =	vld [tilespmem:s13+$0x70]  }
0x1cd: {  	v7 =	vadd.f32 v10, v63;
	[tilespmem:s15+$0xA0] =	vst v6;
	v6 =	vld [tilespmem:s15+$0x30]  }
0x1ce: {  	s16 =	simm.s32 $0x0;
	v0 =	vld [tilespmem:s13+$0xB0]  }
0x1cf: {  	s18 =	simm.s32 $0xFD00;
	s19 =	simm.s32 $0x6500;
	s14 =	simm.s32 $0x12DF0;
	[tilespmem:s15+$0xFFFFFF30] =	vst v7;
	v10 =	vadd.f32 v14, v11;
	v7 =	vld [tilespmem:s15+$0xB0]  }
.LBB2_7:
0x1d0: {  	v11 =	vld [tilespmem:s18+$0xC0];
	v4 =	vadd.f32 v4, v9;
	s19 =	sadd.s32 $0x200, s19  }
0x1d1: {  	s16 =	sadd.s32 $0x8, s16;
	v9 =	vld [tilespmem:s19+$0xC0];
	[tilespmem:s15+$0xFFFFFF70] =	vst v10;
	v1 =	vadd.f32 v1, v8  }
0x1d2: {  	p0 =	slt.u32 s16, $0xC0;
	v8 =	vld [tilespmem:s19+$0xFFFFFF00];
	[tilespmem:s15+$0xFFFFFFB0] =	vst v4;
	v2 =	vadd.f32 v2, v6  }
0x1d3: {  	v4 =	vld [tilespmem:s18+$0xFFFFFF40];
	[tilespmem:s15+$0xFFFFFFF0] =	vst v1;
	v1 =	vadd.f32 v3, v5  }
0x1d4: {  	v3 =	vld [tilespmem:s19+$0xFFFFFF40];
	[tilespmem:s15+$0x30] =	vst v2;
	v0 =	vadd.f32 v0, v7  }
0x1d5: {  	v2 =	vld [tilespmem:s18+$0xFFFFFF80];
	[tilespmem:s15+$0x70] =	vst v1  }
0x1d6: {  	v1 =	vld [tilespmem:s19+$0xFFFFFF80];
	v5 =	vadd.f32 v9, v11;
	[tilespmem:s15+$0xB0] =	vst v0;
	s15 =	smov.u32 s18  }
0x1d7: {  	v0 =	vld [tilespmem:s18+$0xFFFFFFC0]  }
0x1d8: {  	[tilespmem:s18+$0xC0] =	vst v5;
	v5 =	vld [tilespmem:s18+$0xD0]  }
0x1d9: {  	v3 =	vadd.f32 v3, v4;
	v4 =	vld [tilespmem:s19+$0xD0]  }
0x1da: {  	v6 =	vld [tilespmem:s19+$0xFFFFFFC0]  }
0x1db: {  	[tilespmem:s18+$0xFFFFFF40] =	vst v3;
	v1 =	vadd.f32 v1, v2;
	v2 =	vld [tilespmem:s18+$0x0]  }
0x1dc: {  	v3 =	vld [tilespmem:s19+$0x0]  }
0x1dd: {  	[tilespmem:s18+$0xFFFFFF80] =	vst v1;
	v1 =	vld [tilespmem:s18+$0x40]  }
0x1de: {  	v7 =	vld [tilespmem:s19+$0x40];
	v4 =	vadd.f32 v4, v5  }
0x1df: {  	v0 =	vadd.f32 v6, v0;
	v5 =	vld [tilespmem:s18+$0x80]  }
0x1e0: {  	[tilespmem:s18+$0xD0] =	vst v4;
	v4 =	vld [tilespmem:s18+$0xE0]  }
0x1e1: {  	[tilespmem:s18+$0xFFFFFFC0] =	vst v0;
	v0 =	vadd.f32 v3, v2;
	v2 =	vld [tilespmem:s19+$0xE0]  }
0x1e2: {  	v3 =	vld [tilespmem:s19+$0x80]  }
0x1e3: {  	v6 =	vld [tilespmem:s18+$0xFFFFFF00];
	[tilespmem:s18+$0x0] =	vst v0;
	v0 =	vadd.f32 v7, v1  }
0x1e4: {  	v1 =	vld [tilespmem:s19+$0xFFFFFF50]  }
0x1e5: {  	v7 =	vld [tilespmem:s19+$0xFFFFFF90];
	[tilespmem:s18+$0x40] =	vst v0  }
0x1e6: {  	v0 =	vld [tilespmem:s19+$0xFFFFFFD0];
	v2 =	vadd.f32 v2, v4  }
0x1e7: {  	v4 =	vld [tilespmem:s19+$0x10];
	v3 =	vadd.f32 v3, v5  }
0x1e8: {  	v5 =	vadd.f32 v8, v6;
	[tilespmem:s18+$0xE0] =	vst v2;
	v2 =	vld [tilespmem:s18+$0xF0]  }
0x1e9: {  	[tilespmem:s18+$0x80] =	vst v3;
	v3 =	vld [tilespmem:s19+$0xF0]  }
0x1ea: {  	[tilespmem:s18+$0xFFFFFF00] =	vst v5;
	v5 =	vld [tilespmem:s19+$0x50]  }
0x1eb: {  	v6 =	vld [tilespmem:s19+$0xFFFFFF10]  }
0x1ec: {  	v8 =	vld [tilespmem:s19+$0x90]  }
0x1ed: {  	v9 =	vld [tilespmem:s18+$0xFFFFFF10]  }
0x1ee: {  	v10 =	vld [tilespmem:s18+$0xFFFFFF50];
	v2 =	vadd.f32 v3, v2  }
0x1ef: {  	v3 =	vld [tilespmem:s18+$0xFFFFFF90]  }
0x1f0: {  	v11 =	vld [tilespmem:s18+$0xFFFFFFD0];
	[tilespmem:s18+$0xF0] =	vst v2  }
0x1f1: {  	v2 =	vld [tilespmem:s18+$0x10]  }
0x1f2: {  	v6 =	vadd.f32 v6, v9;
	v9 =	vld [tilespmem:s18+$0x50]  }
0x1f3: {  	v1 =	vadd.f32 v1, v10;
	v10 =	vld [tilespmem:s18+$0x90]  }
0x1f4: {  	[tilespmem:s18+$0xFFFFFF10] =	vst v6;
	v6 =	vld [tilespmem:s18+$0xFFFFFF20];
	v3 =	vadd.f32 v7, v3  }
0x1f5: {  	v7 =	vld [tilespmem:s19+$0xFFFFFF20];
	[tilespmem:s18+$0xFFFFFF50] =	vst v1;
	v0 =	vadd.f32 v0, v11  }
0x1f6: {  	v1 =	vld [tilespmem:s19+$0xFFFFFF60];
	[tilespmem:s18+$0xFFFFFF90] =	vst v3;
	v2 =	vadd.f32 v4, v2  }
0x1f7: {  	v3 =	vld [tilespmem:s19+$0xFFFFFFA0];
	[tilespmem:s18+$0xFFFFFFD0] =	vst v0;
	v0 =	vadd.f32 v5, v9  }
0x1f8: {  	v4 =	vld [tilespmem:s19+$0xFFFFFFE0];
	[tilespmem:s18+$0x10] =	vst v2;
	v2 =	vadd.f32 v8, v10  }
0x1f9: {  	v5 =	vld [tilespmem:s19+$0x20];
	[tilespmem:s18+$0x50] =	vst v0  }
0x1fa: {  	v0 =	vadd.f32 v7, v6;
	v6 =	vld [tilespmem:s19+$0x60];
	[tilespmem:s18+$0x90] =	vst v2  }
0x1fb: {  	v2 =	vld [tilespmem:s19+$0xA0]  }
0x1fc: {  	[tilespmem:s18+$0xFFFFFF20] =	vst v0;
	v0 =	vld [tilespmem:s18+$0xFFFFFF60]  }
0x1fd: {  	v7 =	vld [tilespmem:s18+$0xFFFFFFA0]  }
0x1fe: {  	v8 =	vld [tilespmem:s18+$0xFFFFFFE0]  }
0x1ff: {  	v9 =	vld [tilespmem:s18+$0x20]  }
0x200: {  	v10 =	vld [tilespmem:s18+$0x60]  }
0x201: {  	v0 =	vadd.f32 v1, v0;
	v11 =	vld [tilespmem:s18+$0xA0]  }
0x202: {  	v12 =	vld [tilespmem:s19+$0xFFFFFF30];
	v1 =	vadd.f32 v3, v7  }
0x203: {  	v3 =	vld [tilespmem:s18+$0xFFFFFF30];
	[tilespmem:s18+$0xFFFFFF60] =	vst v0;
	v0 =	vadd.f32 v4, v8  }
0x204: {  	v7 =	vld [tilespmem:s19+$0xFFFFFF70];
	[tilespmem:s18+$0xFFFFFFA0] =	vst v1;
	v5 =	vadd.f32 v5, v9  }
0x205: {  	v4 =	vld [tilespmem:s19+$0xFFFFFFB0];
	[tilespmem:s18+$0xFFFFFFE0] =	vst v0;
	v0 =	vadd.f32 v6, v10  }
0x206: {  	v1 =	vld [tilespmem:s19+$0xFFFFFFF0];
	[tilespmem:s18+$0x20] =	vst v5;
	v5 =	vadd.f32 v2, v11  }
0x207: {  	v2 =	vld [tilespmem:s19+$0x30];
	[tilespmem:s18+$0x60] =	vst v0  }
0x208: {  	v6 =	vadd.f32 v12, v3;
	v3 =	vld [tilespmem:s19+$0x70];
	[tilespmem:s18+$0xA0] =	vst v5  }
0x209: {  	v0 =	vld [tilespmem:s19+$0xB0]  }
0x20a: {  	[tilespmem:s18+$0xFFFFFF30] =	vst v6;
	v10 =	vld [tilespmem:s18+$0xFFFFFF70]  }
.Ltmp2:
0x20b: {  	v9 =	vld [tilespmem:s18+$0xFFFFFFB0];
	(pc) =	sbr.rel @p0 .LBB2_7-.Ltmp2, $4  }
0x20c: {  	v8 =	vld [tilespmem:s18+$0xFFFFFFF0]  }
0x20d: {  	v6 =	vld [tilespmem:s18+$0x30]  }
0x20e: {  	v5 =	vld [tilespmem:s18+$0x70]  }
0x20f: {  	s18 =	sadd.s32 $0x200, s18;
	v10 =	vadd.f32 v7, v10;
	v7 =	vld [tilespmem:s15+$0xB0]  }
0x210: {  	v4 =	vadd.f32 v4, v9  }
0x211: {  	[tilespmem:s15+$0xFFFFFF70] =	vst v10;
	v1 =	vadd.f32 v1, v8  }
0x212: {  	[tilespmem:s15+$0xFFFFFFB0] =	vst v4;
	v2 =	vadd.f32 v2, v6  }
0x213: {  	[tilespmem:s15+$0xFFFFFFF0] =	vst v1;
	v1 =	vadd.f32 v3, v5  }
0x214: {  	[tilespmem:s15+$0x30] =	vst v2;
	v0 =	vadd.f32 v0, v7  }
0x215: {  	[tilespmem:s15+$0x70] =	vst v1  }
0x216: {  	[tilespmem:s15+$0xB0] =	vst v0  }
0x217: {  	v0 =	vld [tilespmem:s14+$0xFFFFFFD0]  }
0x218: {  	v1 =	vld [tilespmem:s13+$0xC0]  }
0x219: {  	v2 =	vld [tilespmem:s13+$0xFFFFFF00]  }
0x21a: {  	v3 =	vld [tilespmem:s14+$0xFFFFFE50]  }
0x21b: {  	v4 =	vld [tilespmem:s14+$0xFFFFFE90]  }
0x21c: {  	v6 =	vld [tilespmem:s13+$0xFFFFFF80]  }
0x21d: {  	v7 =	vld [tilespmem:s14+$0xFFFFFED0]  }
0x21e: {  	v8 =	vld [tilespmem:s13+$0xFFFFFFC0]  }
0x21f: {  	v9 =	vld [tilespmem:s14+$0xFFFFFF10]  }
0x220: {  	v10 =	vld [tilespmem:s13+$0x0]  }
0x221: {  	v11 =	vld [tilespmem:s13+$0x40]  }
0x222: {  	v60 =	vld [tilespmem:s14+$0xFFFFFEE0]  }
0x223: {  	v13 =	vld [tilespmem:s14+$0xFFFFFF20]  }
0x224: {  	v61 =	vld [tilespmem:s14+$0xFFFFFEF0]  }
0x225: {  	v62 =	vld [tilespmem:s14+$0xFFFFFF70];
	v0 =	vadd.f32 v1, v0  }
0x226: {  	v1 =	vld [tilespmem:s13+$0xFFFFFF40]  }
0x227: {  	[tilespmem:s14+$0xFFFFFFD0] =	vst v0;
	v0 =	vld [tilespmem:s14+$0xFFFFFFE0]  }
0x228: {  	v5 =	vld [tilespmem:s13+$0xD0]  }
0x229: {  	v63 =	vld [tilespmem:s14+$0xFFFFFE40];
	v4 =	vadd.f32 v6, v4  }
0x22a: {  	v6 =	vld [tilespmem:s13+$0x80]  }
0x22b: {  	[tilespmem:s14+$0xFFFFFE90] =	vst v4;
	v4 =	vadd.f32 v10, v9;
	v10 =	vld [tilespmem:s14+$0xFFFFFE60];
	v1 =	vadd.f32 v1, v3  }
0x22c: {  	v3 =	vld [tilespmem:s14+$0xFFFFFF90]  }
0x22d: {  	[tilespmem:s14+$0xFFFFFE50] =	vst v1;
	v0 =	vadd.f32 v5, v0;
	v5 =	vld [tilespmem:s14+$0xFFFFFF50]  }
0x22e: {  	v1 =	vadd.f32 v8, v7;
	v8 =	vld [tilespmem:s13+$0xFFFFFF50]  }
0x22f: {  	[tilespmem:s14+$0xFFFFFFE0] =	vst v0;
	v0 =	vld [tilespmem:s14+$0xFFFFFFF0]  }
0x230: {  	[tilespmem:s14+$0xFFFFFF10] =	vst v4;
	v12 =	vld [tilespmem:s13+$0xE0]  }
0x231: {  	v9 =	vld [tilespmem:s13+$0x10]  }
0x232: {  	v7 =	vld [tilespmem:s14+$0xFFFFFE10]  }
0x233: {  	[tilespmem:s14+$0xFFFFFED0] =	vst v1;
	v1 =	vld [tilespmem:s13+$0xFFFFFF90]  }
0x234: {  	v4 =	vld [tilespmem:s13+$0xFFFFFFD0];
	v8 =	vadd.f32 v8, v10  }
0x235: {  	v5 =	vadd.f32 v11, v5;
	v11 =	vld [tilespmem:s14+$0xFFFFFEA0];
	v0 =	vadd.f32 v12, v0  }
0x236: {  	v10 =	vld [tilespmem:s14+$0xFFFFFFA0];
	[tilespmem:s14+$0xFFFFFE60] =	vst v8  }
0x237: {  	v8 =	vld [tilespmem:s13+$0xFFFFFF60];
	[tilespmem:s14+$0xFFFFFFF0] =	vst v0;
	v0 =	vadd.f32 v2, v7  }
0x238: {  	[tilespmem:s14+$0xFFFFFF50] =	vst v5;
	v7 =	vld [tilespmem:s14+$0x0];
	v2 =	vadd.f32 v6, v3  }
0x239: {  	v5 =	vld [tilespmem:s13+$0xF0];
	[tilespmem:s14+$0xFFFFFE10] =	vst v0  }
0x23a: {  	v1 =	vadd.f32 v1, v11;
	[tilespmem:s14+$0xFFFFFF90] =	vst v2;
	v2 =	vld [tilespmem:s14+$0xFFFFFE20]  }
0x23b: {  	v3 =	vld [tilespmem:s13+$0xFFFFFF10]  }
0x23c: {  	[tilespmem:s14+$0xFFFFFEA0] =	vst v1;
	v1 =	vadd.f32 v9, v13;
	v6 =	vld [tilespmem:s13+$0x90]  }
0x23d: {  	v4 =	vadd.f32 v4, v60;
	v0 =	vld [tilespmem:s13+$0x50]  }
0x23e: {  	v9 =	vld [tilespmem:s13+$0xFFFFFFA0];
	[tilespmem:s14+$0xFFFFFF20] =	vst v1  }
0x23f: {  	[tilespmem:s14+$0xFFFFFEE0] =	vst v4;
	v4 =	vld [tilespmem:s13+$0x20]  }
0x240: {  	v2 =	vadd.f32 v3, v2;
	v3 =	vld [tilespmem:s14+$0xFFFFFF60]  }
0x241: {  	v1 =	vadd.f32 v6, v10;
	v10 =	vld [tilespmem:s14+$0xFFFFFEB0]  }
0x242: {  	[tilespmem:s14+$0xFFFFFE20] =	vst v2;
	v2 =	vld [tilespmem:s14+$0xFFFFFE30]  }
0x243: {  	v11 =	vld [tilespmem:s13+$0xFFFFFF20]  }
0x244: {  	v5 =	vadd.f32 v5, v7;
	[tilespmem:s14+$0xFFFFFFA0] =	vst v1;
	v1 =	vld [tilespmem:s14+$0xFFFFFE70]  }
0x245: {  	v7 =	vld [tilespmem:s14+$0xFFFFFF40]  }
0x246: {  	[tilespmem:s14+$0x0] =	vst v5;
	v5 =	vld [tilespmem:s14+$0xFFFFFF80]  }
0x247: {  	v6 =	vld [tilespmem:s13+$0xA0]  }
0x248: {  	v0 =	vadd.f32 v0, v3;
	v3 =	vld [tilespmem:s13+$0xFFFFFFE0];
	v2 =	vadd.f32 v11, v2  }
0x249: {  	v1 =	vadd.f32 v8, v1;
	v8 =	vadd.f32 v9, v10;
	v9 =	vld [tilespmem:s14+$0xFFFFFEC0]  }
0x24a: {  	[tilespmem:s14+$0xFFFFFE30] =	vst v2;
	v2 =	vld [tilespmem:s14+$0xFFFFFFB0]  }
0x24b: {  	[tilespmem:s14+$0xFFFFFF60] =	vst v0;
	v11 =	vld [tilespmem:s14+$0xFFFFFF30]  }
0x24c: {  	v0 =	vld [tilespmem:s13+$0x60];
	[tilespmem:s14+$0xFFFFFE70] =	vst v1  }
0x24d: {  	[tilespmem:s14+$0xFFFFFEB0] =	vst v8;
	v8 =	vld [tilespmem:s14+$0xFFFFFF00]  }
0x24e: {  	v1 =	vadd.f32 v3, v61;
	v14 =	vld [tilespmem:s13+$0xFFFFFF70]  }
0x24f: {  	v10 =	vld [tilespmem:s13+$0xFFFFFF30];
	v6 =	vadd.f32 v6, v2  }
0x250: {  	[tilespmem:s14+$0xFFFFFEF0] =	vst v1;
	v3 =	vadd.f32 v4, v11;
	v4 =	vld [tilespmem:s13+$0xFFFFFFB0]  }
0x251: {  	v0 =	vadd.f32 v0, v62;
	[tilespmem:s14+$0xFFFFFFB0] =	vst v6;
	v6 =	vld [tilespmem:s14+$0xFFFFFE80]  }
0x252: {  	v1 =	vld [tilespmem:s13+$0xFFFFFFF0];
	[tilespmem:s14+$0xFFFFFF30] =	vst v3  }
0x253: {  	[tilespmem:s14+$0xFFFFFF70] =	vst v0;
	v2 =	vld [tilespmem:s13+$0x30]  }
0x254: {  	v3 =	vld [tilespmem:s13+$0x70];
	v10 =	vadd.f32 v10, v63  }
0x255: {  	v0 =	vld [tilespmem:s13+$0xB0]  }
0x256: {  	s16 =	simm.s32 $0x12FF0;
	s15 =	simm.s32 $0x0;
	[tilespmem:s14+$0xFFFFFE40] =	vst v10;
	v10 =	vadd.f32 v14, v6;
	v6 =	vld [tilespmem:s14+$0xFFFFFFC0]  }
.LBB2_9:
0x257: {  	v11 =	vld [tilespmem:s16+$0xFFFFFFD0];
	v4 =	vadd.f32 v4, v9;
	s13 =	sadd.s32 $0x200, s13  }
0x258: {  	s15 =	sadd.s32 $0x8, s15;
	v9 =	vld [tilespmem:s13+$0xC0];
	[tilespmem:s14+$0xFFFFFE80] =	vst v10;
	v1 =	vadd.f32 v1, v8  }
0x259: {  	p0 =	slt.u32 s15, $0xC0;
	v8 =	vld [tilespmem:s13+$0xFFFFFF00];
	[tilespmem:s14+$0xFFFFFEC0] =	vst v4;
	v2 =	vadd.f32 v2, v7  }
0x25a: {  	v4 =	vld [tilespmem:s16+$0xFFFFFE50];
	[tilespmem:s14+$0xFFFFFF00] =	vst v1;
	v1 =	vadd.f32 v3, v5  }
0x25b: {  	v3 =	vld [tilespmem:s13+$0xFFFFFF40];
	[tilespmem:s14+$0xFFFFFF40] =	vst v2;
	v0 =	vadd.f32 v0, v6  }
0x25c: {  	v2 =	vld [tilespmem:s16+$0xFFFFFE90];
	[tilespmem:s14+$0xFFFFFF80] =	vst v1  }
0x25d: {  	v1 =	vld [tilespmem:s13+$0xFFFFFF80];
	v5 =	vadd.f32 v9, v11;
	[tilespmem:s14+$0xFFFFFFC0] =	vst v0;
	s14 =	smov.u32 s16  }
0x25e: {  	v0 =	vld [tilespmem:s16+$0xFFFFFED0]  }
0x25f: {  	[tilespmem:s16+$0xFFFFFFD0] =	vst v5;
	v5 =	vld [tilespmem:s16+$0xFFFFFFE0]  }
0x260: {  	v3 =	vadd.f32 v3, v4;
	v4 =	vld [tilespmem:s13+$0xD0]  }
0x261: {  	v6 =	vld [tilespmem:s13+$0xFFFFFFC0]  }
0x262: {  	[tilespmem:s16+$0xFFFFFE50] =	vst v3;
	v1 =	vadd.f32 v1, v2;
	v2 =	vld [tilespmem:s16+$0xFFFFFF10]  }
0x263: {  	v3 =	vld [tilespmem:s13+$0x0]  }
0x264: {  	[tilespmem:s16+$0xFFFFFE90] =	vst v1;
	v1 =	vld [tilespmem:s16+$0xFFFFFF50]  }
0x265: {  	v7 =	vld [tilespmem:s13+$0x40];
	v4 =	vadd.f32 v4, v5  }
0x266: {  	v0 =	vadd.f32 v6, v0;
	v5 =	vld [tilespmem:s16+$0xFFFFFF90]  }
0x267: {  	[tilespmem:s16+$0xFFFFFFE0] =	vst v4;
	v4 =	vld [tilespmem:s16+$0xFFFFFFF0]  }
0x268: {  	[tilespmem:s16+$0xFFFFFED0] =	vst v0;
	v0 =	vadd.f32 v3, v2;
	v2 =	vld [tilespmem:s13+$0xE0]  }
0x269: {  	v3 =	vld [tilespmem:s13+$0x80]  }
0x26a: {  	v6 =	vld [tilespmem:s16+$0xFFFFFE10];
	[tilespmem:s16+$0xFFFFFF10] =	vst v0;
	v0 =	vadd.f32 v7, v1  }
0x26b: {  	v1 =	vld [tilespmem:s13+$0xFFFFFF50]  }
0x26c: {  	v7 =	vld [tilespmem:s13+$0xFFFFFF90];
	[tilespmem:s16+$0xFFFFFF50] =	vst v0  }
0x26d: {  	v0 =	vld [tilespmem:s13+$0xFFFFFFD0];
	v2 =	vadd.f32 v2, v4  }
0x26e: {  	v4 =	vld [tilespmem:s13+$0x10];
	v3 =	vadd.f32 v3, v5  }
0x26f: {  	v5 =	vadd.f32 v8, v6;
	[tilespmem:s16+$0xFFFFFFF0] =	vst v2;
	v2 =	vld [tilespmem:s16+$0x0]  }
0x270: {  	[tilespmem:s16+$0xFFFFFF90] =	vst v3;
	v3 =	vld [tilespmem:s13+$0xF0]  }
0x271: {  	[tilespmem:s16+$0xFFFFFE10] =	vst v5;
	v5 =	vld [tilespmem:s13+$0x50]  }
0x272: {  	v6 =	vld [tilespmem:s13+$0xFFFFFF10]  }
0x273: {  	v8 =	vld [tilespmem:s13+$0x90]  }
0x274: {  	v9 =	vld [tilespmem:s16+$0xFFFFFE20]  }
0x275: {  	v10 =	vld [tilespmem:s16+$0xFFFFFE60];
	v2 =	vadd.f32 v3, v2  }
0x276: {  	v3 =	vld [tilespmem:s16+$0xFFFFFEA0]  }
0x277: {  	v11 =	vld [tilespmem:s16+$0xFFFFFEE0];
	[tilespmem:s16+$0x0] =	vst v2  }
0x278: {  	v2 =	vld [tilespmem:s16+$0xFFFFFF20]  }
0x279: {  	v6 =	vadd.f32 v6, v9;
	v9 =	vld [tilespmem:s16+$0xFFFFFF60]  }
0x27a: {  	v1 =	vadd.f32 v1, v10;
	v10 =	vld [tilespmem:s16+$0xFFFFFFA0]  }
0x27b: {  	[tilespmem:s16+$0xFFFFFE20] =	vst v6;
	v6 =	vld [tilespmem:s16+$0xFFFFFE30];
	v3 =	vadd.f32 v7, v3  }
0x27c: {  	v7 =	vld [tilespmem:s13+$0xFFFFFF20];
	[tilespmem:s16+$0xFFFFFE60] =	vst v1;
	v0 =	vadd.f32 v0, v11  }
0x27d: {  	v1 =	vld [tilespmem:s13+$0xFFFFFF60];
	[tilespmem:s16+$0xFFFFFEA0] =	vst v3;
	v2 =	vadd.f32 v4, v2  }
0x27e: {  	v3 =	vld [tilespmem:s13+$0xFFFFFFA0];
	[tilespmem:s16+$0xFFFFFEE0] =	vst v0;
	v0 =	vadd.f32 v5, v9  }
0x27f: {  	v4 =	vld [tilespmem:s13+$0xFFFFFFE0];
	[tilespmem:s16+$0xFFFFFF20] =	vst v2;
	v2 =	vadd.f32 v8, v10  }
0x280: {  	v5 =	vld [tilespmem:s13+$0x20];
	[tilespmem:s16+$0xFFFFFF60] =	vst v0  }
0x281: {  	v0 =	vadd.f32 v7, v6;
	v6 =	vld [tilespmem:s13+$0x60];
	[tilespmem:s16+$0xFFFFFFA0] =	vst v2  }
0x282: {  	v2 =	vld [tilespmem:s13+$0xA0]  }
0x283: {  	[tilespmem:s16+$0xFFFFFE30] =	vst v0;
	v0 =	vld [tilespmem:s16+$0xFFFFFE70]  }
0x284: {  	v7 =	vld [tilespmem:s16+$0xFFFFFEB0]  }
0x285: {  	v8 =	vld [tilespmem:s16+$0xFFFFFEF0]  }
0x286: {  	v9 =	vld [tilespmem:s16+$0xFFFFFF30]  }
0x287: {  	v10 =	vld [tilespmem:s16+$0xFFFFFF70]  }
0x288: {  	v0 =	vadd.f32 v1, v0;
	v11 =	vld [tilespmem:s16+$0xFFFFFFB0]  }
0x289: {  	v12 =	vld [tilespmem:s13+$0xFFFFFF30];
	v1 =	vadd.f32 v3, v7  }
0x28a: {  	v3 =	vld [tilespmem:s16+$0xFFFFFE40];
	[tilespmem:s16+$0xFFFFFE70] =	vst v0;
	v0 =	vadd.f32 v4, v8  }
0x28b: {  	v13 =	vld [tilespmem:s13+$0xFFFFFF70];
	[tilespmem:s16+$0xFFFFFEB0] =	vst v1;
	v5 =	vadd.f32 v5, v9  }
0x28c: {  	v4 =	vld [tilespmem:s13+$0xFFFFFFB0];
	[tilespmem:s16+$0xFFFFFEF0] =	vst v0;
	v0 =	vadd.f32 v6, v10  }
0x28d: {  	v1 =	vld [tilespmem:s13+$0xFFFFFFF0];
	[tilespmem:s16+$0xFFFFFF30] =	vst v5;
	v5 =	vadd.f32 v2, v11  }
0x28e: {  	v2 =	vld [tilespmem:s13+$0x30];
	[tilespmem:s16+$0xFFFFFF70] =	vst v0  }
0x28f: {  	v6 =	vadd.f32 v12, v3;
	v3 =	vld [tilespmem:s13+$0x70];
	[tilespmem:s16+$0xFFFFFFB0] =	vst v5  }
0x290: {  	v0 =	vld [tilespmem:s13+$0xB0]  }
0x291: {  	[tilespmem:s16+$0xFFFFFE40] =	vst v6;
	v6 =	vld [tilespmem:s16+$0xFFFFFE80]  }
.Ltmp3:
0x292: {  	v9 =	vld [tilespmem:s16+$0xFFFFFEC0];
	(pc) =	sbr.rel @p0 .LBB2_9-.Ltmp3, $4  }
0x293: {  	v8 =	vld [tilespmem:s16+$0xFFFFFF00]  }
0x294: {  	v7 =	vld [tilespmem:s16+$0xFFFFFF40]  }
0x295: {  	v5 =	vld [tilespmem:s16+$0xFFFFFF80]  }
0x296: {  	s16 =	sadd.s32 $0x200, s16;
	v10 =	vadd.f32 v13, v6;
	v6 =	vld [tilespmem:s14+$0xFFFFFFC0]  }
0x297: {  	v4 =	vadd.f32 v4, v9  }
0x298: {  	s8 =	sor.u32 s3, s8;
	[tilespmem:s14+$0xFFFFFE80] =	vst v10;
	v1 =	vadd.f32 v1, v8  }
0x299: {  	s13 =	smul.u32 $0x640, s8;
	[tilespmem:s14+$0xFFFFFEC0] =	vst v4;
	v2 =	vadd.f32 v2, v7  }
0x29a: {  	s8 =	smul.u32 $0x3200, s8;
	[tilespmem:s14+$0xFFFFFF00] =	vst v1;
	v63 =	vadd.f32 v3, v5  }
0x29b: {  	[tilespmem:s14+$0xFFFFFF40] =	vst v2;
	v0 =	vadd.f32 v0, v6  }
0x29c: {  	s8 =	sshrl.u32 s8, $0x3;
	[tilespmem:s14+$0xFFFFFF80] =	vst v63  }
0x29d: {  	s13 =	sadd.s32 s6, s13;
	s8 =	sadd.s32 s6, s8;
	[tilespmem:s14+$0xFFFFFFC0] =	vst v0  }
0x29e: {  	[hbm4b:s13+s2] =	stream.linear.scatter [tilespmem:s22], [sflag:$0x4], $0x3200, $0x38;
	[tilespmem:$0x15E00] =	vst v63  }
0x29f: {  	s8 =	sadd.s32 $0x640, s8  }
0x2a0: {  	[hbm4b:s8+s2] =	stream.linear.scatter [tilespmem:s28], [sflag:$0x4], $0x3200, $0x38;
	[tilespmem:$0x15E00] =	vst v63  }
0x2a1: {  	_ =	swait.ge [sflag:s5], $0x3200  }
0x2a2: {  	[sflag:s5] =	ssyncset.done $0x0  }
0x2a3: {  	[sflag:s5] =	ssyncadd.s32 $0xFFFFCE00  }
0x2a4: {  	_ =	swait.ge [sflag:s5], $0x3200  }
0x2a5: {  	[sflag:s5] =	ssyncset.done $0x0  }
0x2a6: {  	s9 =	sadd.s32 $0x1, s9;
	[sflag:s5] =	ssyncadd.s32 $0xFFFFCE00  }
0x2a7: {  	p0 =	sne.s32 s9, $0x20;
	_ =	swait.ge [sflag:s7], $0x3200  }
.Ltmp4:
0x2a8: {  	[sflag:s7] =	ssyncset.done $0x0;
	(pc) =	sbr.rel @p0 .LBB2_2-.Ltmp4, $4  }
0x2a9: {  	[sflag:s7] =	ssyncadd.s32 $0xFFFFCE00  }
0x2aa: {  	_ =	swait.ge [sflag:s7], $0x3200  }
0x2ab: {  	[sflag:s7] =	ssyncset.done $0x0  }
0x2ac: {  	[sflag:s7] =	ssyncadd.s32 $0xFFFFCE00  }
0x2ad: {  	s9 =	rddreg [dreg:$0x6]  }
0x2ae: {  	s8 =	rddreg [dreg:$0x5];
	s9 =	sadd.s32 $0x1, s9  }
0x2af: {  	p0 =	sne.s32 s9, s8  }
.Ltmp5:
0x2b0: {  	_ = 	snop;
	(pc) =	sbr.rel @p0 .LBB2_1-.Ltmp5, $1  }
0x2b1: {  	_ =	sdelay $0x3  }
0x2b2: {  	_ =	sfence.sel $0x180000  }
0x2b3: {  	[bflag:$0x0] =	sbarrier.arrive $0xFFFF  }
0x2b4: {  	_ =	strace $0x90000047  }
0x2b5: {  	s0 =	stileid.u32;
	[bflag:$0x2] =	sbarrier.arrive $0xFFFF  }
0x2b6: {  	p0 =	sne.s32 s0, $0x0;
	s0 =	rddreg [dreg:$0x2]  }
0x2b7: {  	s0 =	sadd.s32 @!p0 $0x100000, s0  }
0x2b8: {  	[sflag:s0] =	ssyncadd.tile.s32 @!p0 $0x1;
	_ =	shalt  }
.Lfunc_end2:
_tile_overlayer_lowered:
.L_overlay_start_2:
0x2b9: {  	(tag) =	ssettag $0x2  }
0x2ba: {  	s0 =	rddreg [dreg:$0x0];
	s2 =	stileid.u32  }
0x2bb: {  	s1 =	rddreg [dreg:$0x1];
	p0 =	sne.s32 s2, $0x0  }
0x2bc: {  	s3 =	rddreg [dreg:$0x2];
	[bflag:$0x3] =	sbarrier.arrive $0xFFFF;
	s2 =	simm.s32 @!p0 $0x1C05  }
0x2bd: {  	[timem:s3], [sflag:s2] =	dma.local @!p0 [hbm:s0], s1  }
0x2be: {  	s0 =	simm.s32 @!p0 $0x5  }
0x2bf: {  	_ =	swait.ge @!p0 [sflag:s0], s1  }
0x2c0: {  	s1 =	ssub.s32 @!p0 $0x0, s1;
	[sflag:s0] =	ssyncset.done @!p0 $0x0  }
0x2c1: {  	[sflag:s0] =	ssyncadd.s32 @!p0 s1  }
0x2c2: {  	[bflag:$0x3] =	sbarrier.arrive $0xFFFF  }
0x2c3: {  	_ =	shalt  }

</sc_bundles>
